<compile_context>
chip_gen: v7x
topology: tpu7x:2x2x1
jax: 0.10.2.dev20260603
libtpu: 0.0.44.dev20260713+nightly
codegen_flags: <defaults>
</compile_context>

<pallas_src>
import functools
import jax
import jax.numpy as jnp
from jax import lax
from jax.experimental import pallas as pl
from jax.experimental.pallas import tpu as pltpu
from jax.experimental.pallas import tpu_sc as plsc

N = 10000
E = 320000
HC = 128
ENF = 16
NG = 16
NP = 10240
EP = 323584
CHG = 158
CHT = 158
TW = 256
PW = 128
BE = 2048
BN = 2048
NW = 32
RPT = NP // 16


def _swish(x):
    return x * jax.nn.sigmoid(x)



@functools.cache
def _sc_kernels():
    mesh = plsc.VectorSubcoreMesh(core_axis_name="c", subcore_axis_name="s")

    @functools.partial(
        pl.kernel,
        mesh=mesh,
        out_type=jax.ShapeDtypeStruct((2 * EP, TW), jnp.float32),
        scratch_types=[
            pltpu.VMEM((CHG, 128), jnp.int32),
            pltpu.VMEM((128, TW), jnp.float32),
            pltpu.SemaphoreType.DMA,
        ],
    )
    def sc_gather(table_hbm, idx_hbm, out_hbm, idx_v, rows_v, sem):
        c = lax.axis_index("c")
        s = lax.axis_index("s")
        wid = s * 2 + c
        pltpu.sync_copy(idx_hbm.at[wid], idx_v)

        def body(j, carry):
            pltpu.async_copy(table_hbm.at[idx_v.at[j]], rows_v, sem).wait()
            row0 = pl.multiple_of((wid * CHG + j) * 128, 128)
            pltpu.sync_copy(rows_v, out_hbm.at[pl.ds(row0, 128)])
            return carry

        lax.fori_loop(0, CHG, body, 0)

    @functools.partial(
        pl.kernel,
        mesh=mesh,
        out_type=jax.ShapeDtypeStruct((2, NP, PW), jnp.float32),
        scratch_types=[
            pltpu.VMEM((CHT, 128), jnp.int32),
            pltpu.VMEM((128, PW), jnp.float32),
            pltpu.VMEM_SHARED((NP, PW), jnp.float32),
            pltpu.SemaphoreType.DMA,
        ],
    )
    def sc_scatter(mpay_hbm, wpay_hbm, idx_hbm, zeros_hbm, out_hbm, idx_v,
                   pay_v, acc_sh, sem):
        c = lax.axis_index("c")
        s = lax.axis_index("s")
        stripe = pl.multiple_of(s * RPT, 8)
        pltpu.sync_copy(zeros_hbm.at[pl.ds(stripe, RPT)],
                        acc_sh.at[pl.ds(stripe, RPT)])
        pltpu.sync_copy(idx_hbm.at[s], idx_v)
        plsc.subcore_barrier()

        @pl.when(c == 0)
        def _():
            def body(j, carry):
                row0 = pl.multiple_of((s * CHT + j) * 128, 128)
                pltpu.sync_copy(mpay_hbm.at[pl.ds(row0, 128)], pay_v)
                pltpu.sync_copy(pay_v, acc_sh.at[idx_v.at[j]], add=True)
                return carry

            lax.fori_loop(0, CHT, body, 0)

        @pl.when(c == 1)
        def _():
            def body(j, carry):
                row0 = pl.multiple_of((s * CHT + j) * 128, 128)
                pltpu.sync_copy(wpay_hbm.at[pl.ds(row0, 128)], pay_v)
                pltpu.sync_copy(pay_v, acc_sh.at[idx_v.at[j]], add=True)
                return carry

            lax.fori_loop(0, CHT, body, 0)

        plsc.subcore_barrier()
        pltpu.sync_copy(acc_sh.at[pl.ds(stripe, RPT)],
                        out_hbm.at[c, pl.ds(stripe, RPT)])

    return sc_gather, sc_scatter



def _enc_body(feat_ref, posp_ref, t_ref, w1_ref, b1_ref, w2_ref, b2_ref,
              ew_ref, eb_ref, out_ref):
    x = feat_ref[...]
    h = _swish(x @ w1_ref[...] + b1_ref[...])
    h = h @ w2_ref[...] + b2_ref[...]
    col = lax.broadcasted_iota(jnp.int32, h.shape, 1)
    h = jnp.where(col == 127, t_ref[0, 0], h)
    h = h @ ew_ref[...] + eb_ref[...]
    out_ref[...] = jnp.concatenate([h, posp_ref[...]], axis=1)


def _edge_core(gs_ref, gd_ref, e, w1a_ref, w1b_ref, w1c_ref, w1d_ref, b1_ref,
               w2_ref, b2_ref, xw_ref, xb_ref, mpay_ref, wpay_ref):
    gs = gs_ref[...]
    gd = gd_ref[...]
    hs = gs[:, :HC]
    hd = gd[:, :HC]
    rel = gs[:, HC:HC + 3] - gd[:, HC:HC + 3]
    d2 = jnp.sum(rel * rel, axis=1, keepdims=True)
    m = _swish(hs @ w1a_ref[...] + hd @ w1b_ref[...] + d2 * w1c_ref[...]
               + e @ w1d_ref[...] + b1_ref[...])
    m = _swish(m @ w2_ref[...] + b2_ref[...])
    coef = m @ xw_ref[...] + xb_ref[...]
    wrel = rel / (jnp.sqrt(d2) + 1.0) * coef
    mpay_ref[...] = m
    pad = jnp.zeros((wrel.shape[0], PW - 3), jnp.float32)
    wpay_ref[...] = jnp.concatenate([wrel, pad], axis=1)


def _edge_body_l0(gs_ref, gd_ref, ea_ref, eew1_ref, eeb1_ref, eew2_ref,
                  eeb2_ref, w1a_ref, w1b_ref, w1c_ref, w1d_ref, b1_ref,
                  w2_ref, b2_ref, xw_ref, xb_ref, mpay_ref, wpay_ref, e_ref):
    e = _swish(ea_ref[...] @ eew1_ref[...] + eeb1_ref[...]) @ eew2_ref[...] \
        + eeb2_ref[...]
    e_ref[...] = e
    _edge_core(gs_ref, gd_ref, e, w1a_ref, w1b_ref, w1c_ref, w1d_ref, b1_ref,
               w2_ref, b2_ref, xw_ref, xb_ref, mpay_ref, wpay_ref)


def _edge_body_l1(gs_ref, gd_ref, e_ref, w1a_ref, w1b_ref, w1c_ref, w1d_ref,
                  b1_ref, w2_ref, b2_ref, xw_ref, xb_ref, mpay_ref, wpay_ref):
    _edge_core(gs_ref, gd_ref, e_ref[...], w1a_ref, w1b_ref, w1c_ref,
               w1d_ref, b1_ref, w2_ref, b2_ref, xw_ref, xb_ref, mpay_ref,
               wpay_ref)


def _node_body(tab_ref, m_ref, w_ref, w1a_ref, w1b_ref, b1_ref, w2_ref,
               b2_ref, out_ref):
    tab = tab_ref[...]
    h = tab[:, :HC]
    u = _swish(h @ w1a_ref[...] + m_ref[0] @ w1b_ref[...] + b1_ref[...])
    h2 = h + u @ w2_ref[...] + b2_ref[...]
    out_ref[...] = jnp.concatenate([h2, tab[:, HC:] + w_ref[0]], axis=1)


def _ro_body(tab_ref, mask_ref, w1_ref, b1_ref, w1g_ref, b1g_ref, w2_ref,
             b2_ref, w2g_ref, b2g_ref, w3_ref, b3_ref, out_ref, acc_ref):
    h = tab_ref[:, :HC]
    g1 = jax.nn.sigmoid(h @ w1g_ref[...] + b1g_ref[...])
    v = _swish((h @ w1_ref[...] + b1_ref[...]) * g1)
    g2 = jax.nn.sigmoid(v @ w2g_ref[...] + b2g_ref[...])
    v = _swish((v @ w2_ref[...] + b2_ref[...]) * g2)
    no = v @ w3_ref[...] + b3_ref[...]
    mask = mask_ref[...]
    oh = (mask == lax.broadcasted_iota(jnp.int32, (mask.shape[0], NG), 1))
    oh = oh.astype(jnp.float32)
    vals = jnp.concatenate([no, jnp.ones_like(no)], axis=1)
    blk = lax.dot_general(oh, vals, (((0,), (0,)), ((), ())))

    @pl.when(pl.program_id(0) == 0)
    def _():
        acc_ref[...] = jnp.zeros_like(acc_ref)

    acc_ref[...] += blk

    @pl.when(pl.program_id(0) == pl.num_programs(0) - 1)
    def _():
        a = acc_ref[...]
        out_ref[...] = a[:, 0:1] / jnp.maximum(a[:, 1:2], 1.0)


def _full(shape):
    nd = len(shape)
    return pl.BlockSpec(shape, lambda b: (0,) * nd)


def _rows(width, nblk=0):
    return pl.BlockSpec((BE, width), lambda b, o=nblk: (b + o, 0))


def _nrows(width):
    return pl.BlockSpec((BN, width), lambda b: (b, 0))



def kernel(xh0, edge_index, t, conditions, n_frag_switch, combined_mask,
           edge_attr, params):
    p = params
    f32 = jnp.float32
    pos = xh0[:, :3]
    feat = xh0[:, 3:]
    featp = jnp.zeros((NP, HC), f32).at[:N].set(feat)
    posp = jnp.zeros((NP, TW - HC), f32).at[:N, :3].set(pos)
    maskp = jnp.full((NP, 1), NG + 7, jnp.int32).at[:N, 0].set(combined_mask)
    src = edge_index[0]
    dst = edge_index[1]
    padi = jnp.zeros((EP - E,), jnp.int32)
    gidx = jnp.concatenate([src, padi, dst, padi]).reshape(NW, CHG, 128)
    sidx = jnp.concatenate(
        [dst, jnp.full((EP - E,), NP - 1, jnp.int32)]).reshape(16, CHT, 128)
    eap = jnp.zeros((EP, ENF), f32).at[:E].set(edge_attr)
    zeros_np = jnp.zeros((NP, PW), f32)
    t2 = t.reshape(1, 1)
    sc_gather, sc_scatter = _sc_kernels()

    def row(v):
        return v.reshape(1, -1)

    enc_w2p = jnp.zeros((256, HC), f32).at[:, :127].set(p['enc_W2'])
    enc_b2p = jnp.zeros((1, HC), f32).at[0, :127].set(p['enc_b2'])
    table = pl.pallas_call(
        _enc_body,
        grid=(NP // BN,),
        in_specs=[_nrows(HC), _nrows(TW - HC), _full((1, 1)),
                  _full((HC, 256)), _full((1, 256)), _full((256, HC)),
                  _full((1, HC)), _full((HC, HC)), _full((1, HC))],
        out_specs=_nrows(TW),
        out_shape=jax.ShapeDtypeStruct((NP, TW), f32),
    )(featp, posp, t2, p['enc_W1'], row(p['enc_b1']), enc_w2p, enc_b2p,
      p['emb_W'], row(p['emb_b']))

    e = None
    for l in range(2):
        ew1 = p['l%d_eW1' % l]
        lw = [ew1[:HC], ew1[HC:2 * HC], ew1[2 * HC:2 * HC + 1],
              ew1[2 * HC + 1:], row(p['l%d_eb1' % l]), p['l%d_eW2' % l],
              row(p['l%d_eb2' % l]), p['l%d_xW' % l],
              p['l%d_xb' % l].reshape(1, 1)]
        lw_specs = [_full((HC, HC)), _full((HC, HC)), _full((1, HC)),
                    _full((ENF, HC)), _full((1, HC)), _full((HC, HC)),
                    _full((1, HC)), _full((HC, 1)), _full((1, 1))]
        g = sc_gather(table, gidx)
        pay_shapes = [jax.ShapeDtypeStruct((EP, PW), f32),
                      jax.ShapeDtypeStruct((EP, PW), f32)]
        if l == 0:
            mpay, wpay, e = pl.pallas_call(
                _edge_body_l0,
                grid=(EP // BE,),
                in_specs=[_rows(TW), _rows(TW, EP // BE), _rows(ENF),
                          _full((ENF, 2 * ENF)), _full((1, 2 * ENF)),
                          _full((2 * ENF, ENF)), _full((1, ENF))] + lw_specs,
                out_specs=[_rows(PW), _rows(PW), _rows(ENF)],
                out_shape=pay_shapes + [jax.ShapeDtypeStruct((EP, ENF), f32)],
            )(g, g, eap, p['ee_W1'], row(p['ee_b1']), p['ee_W2'],
              row(p['ee_b2']), *lw)
        else:
            mpay, wpay = pl.pallas_call(
                _edge_body_l1,
                grid=(EP // BE,),
                in_specs=[_rows(TW), _rows(TW, EP // BE), _rows(ENF)]
                         + lw_specs,
                out_specs=[_rows(PW), _rows(PW)],
                out_shape=pay_shapes,
            )(g, g, e, *lw)
        partials = sc_scatter(mpay, wpay, sidx, zeros_np)
        hw1 = p['l%d_hW1' % l]
        table = pl.pallas_call(
            _node_body,
            grid=(NP // BN,),
            in_specs=[_nrows(TW),
                      pl.BlockSpec((1, BN, PW), lambda b: (0, b, 0)),
                      pl.BlockSpec((1, BN, PW), lambda b: (1, b, 0)),
                      _full((HC, HC)), _full((HC, HC)), _full((1, HC)),
                      _full((HC, HC)), _full((1, HC))],
            out_specs=_nrows(TW),
            out_shape=jax.ShapeDtypeStruct((NP, TW), f32),
        )(table, partials, partials, hw1[:HC], hw1[HC:],
          row(p['l%d_hb1' % l]), p['l%d_hW2' % l], row(p['l%d_hb2' % l]))

    conf = pl.pallas_call(
        _ro_body,
        grid=(NP // BN,),
        in_specs=[_nrows(TW), _nrows(1),
                  _full((HC, HC)), _full((1, HC)), _full((HC, HC)),
                  _full((1, HC)), _full((HC, HC)), _full((1, HC)),
                  _full((HC, HC)), _full((1, HC)), _full((HC, 1)),
                  _full((1, 1))],
        out_specs=_full((NG, 1)),
        out_shape=jax.ShapeDtypeStruct((NG, 1), f32),
        scratch_shapes=[pltpu.VMEM((NG, 2), f32)],
    )(table, maskp, p['ro_W1'], row(p['ro_b1']), p['ro_W1g'],
      row(p['ro_b1g']), p['ro_W2'], row(p['ro_b2']), p['ro_W2g'],
      row(p['ro_b2g']), p['ro_W3'], p['ro_b3'].reshape(1, 1))
    return conf

# --- scband reference (transcript-rebuilt; emitter-appended) ---
"""Pipeline reference for scband-potential-11828339933353 (READ-ONLY COPY).

The authoritative reference and input builder live on the scoring server;
editing this copy changes nothing except your own understanding.
"""

import jax, jax.numpy as jnp
import numpy as np

N = 10000
E = 320000
HC = 128
ENF = 16
NG = 16
EMBED = 127
NLAYERS = 2

def swish(x):
    return x * jax.nn.sigmoid(x)

def _w(key, shape):
    return jax.random.normal(key, shape, dtype=jnp.float32) * 0.02

def setup_inputs(seed: int = 0):
    key = jax.random.key(seed)
    ks = jax.random.split(key, 64)
    xh0 = jax.random.normal(ks[0], (N, 3 + 128), dtype=jnp.float32)
    edge_index = jax.random.randint(ks[1], (2, E), 0, N, dtype=jnp.int32)
    t = jax.random.uniform(ks[2], (1,), dtype=jnp.float32)
    conditions = jnp.zeros((NG, 1), dtype=jnp.float32)
    n_frag_switch = jnp.zeros((N,), dtype=jnp.int32)
    combined_mask = jnp.sort(jax.random.randint(ks[3], (N,), 0, NG, dtype=jnp.int32))
    edge_attr = jax.random.normal(ks[4], (E, ENF), dtype=jnp.float32)
    p = {}
    p['enc_W1'] = _w(ks[5], (128, 256)); p['enc_b1'] = jnp.zeros((256,), jnp.float32)
    p['enc_W2'] = _w(ks[6], (256, EMBED)); p['enc_b2'] = jnp.zeros((EMBED,), jnp.float32)
    p['ee_W1'] = _w(ks[7], (ENF, 2 * ENF)); p['ee_b1'] = jnp.zeros((2 * ENF,), jnp.float32)
    p['ee_W2'] = _w(ks[8], (2 * ENF, ENF)); p['ee_b2'] = jnp.zeros((ENF,), jnp.float32)
    p['emb_W'] = _w(ks[9], (HC, HC)); p['emb_b'] = jnp.zeros((HC,), jnp.float32)
    kk = 10
    for l in range(NLAYERS):
        p['l%d_eW1' % l] = _w(ks[kk], (2 * HC + 1 + ENF, HC)); kk += 1
        p['l%d_eb1' % l] = jnp.zeros((HC,), jnp.float32)
        p['l%d_eW2' % l] = _w(ks[kk], (HC, HC)); kk += 1
        p['l%d_eb2' % l] = jnp.zeros((HC,), jnp.float32)
        p['l%d_hW1' % l] = _w(ks[kk], (2 * HC, HC)); kk += 1
        p['l%d_hb1' % l] = jnp.zeros((HC,), jnp.float32)
        p['l%d_hW2' % l] = _w(ks[kk], (HC, HC)); kk += 1
        p['l%d_hb2' % l] = jnp.zeros((HC,), jnp.float32)
        p['l%d_xW' % l] = _w(ks[kk], (HC, 1)); kk += 1
        p['l%d_xb' % l] = jnp.zeros((1,), jnp.float32)
    for nm, shp in [('ro_W1', (HC, HC)), ('ro_W1g', (HC, HC)), ('ro_W2', (HC, HC)), ('ro_W2g', (HC, HC)), ('ro_W3', (HC, 1))]:
        p[nm] = _w(ks[kk], shp); kk += 1
    p['ro_b1'] = jnp.zeros((HC,), jnp.float32); p['ro_b1g'] = jnp.zeros((HC,), jnp.float32)
    p['ro_b2'] = jnp.zeros((HC,), jnp.float32); p['ro_b2g'] = jnp.zeros((HC,), jnp.float32)
    p['ro_b3'] = jnp.zeros((1,), jnp.float32)
    return {'xh0': xh0, 'edge_index': edge_index, 't': t, 'conditions': conditions, 'n_frag_switch': n_frag_switch, 'combined_mask': combined_mask, 'edge_attr': edge_attr, 'params': p}

def _potential_forward(xh0, t, edge_attr, params, edge_index, combined_mask):
    p = params
    pos = xh0[:, :3]
    feat = xh0[:, 3:]
    h = swish(feat @ p['enc_W1'] + p['enc_b1']) @ p['enc_W2'] + p['enc_b2']
    h_time = jnp.full((h.shape[0], 1), t[0], dtype=jnp.float32)
    h = jnp.concatenate([h, h_time], axis=1)
    h = h @ p['emb_W'] + p['emb_b']
    e = swish(edge_attr @ p['ee_W1'] + p['ee_b1']) @ p['ee_W2'] + p['ee_b2']
    src = edge_index[0]
    dst = edge_index[1]
    for l in range(NLAYERS):
        rel = pos[src] - pos[dst]
        d2 = jnp.sum(rel * rel, axis=1, keepdims=True)
        m = jnp.concatenate([h[src], h[dst], d2, e], axis=1)
        m = swish(m @ p['l%d_eW1' % l] + p['l%d_eb1' % l])
        m = swish(m @ p['l%d_eW2' % l] + p['l%d_eb2' % l])
        agg = jax.ops.segment_sum(m, dst, num_segments=N)
        u = swish(jnp.concatenate([h, agg], axis=1) @ p['l%d_hW1' % l] + p['l%d_hb1' % l])
        h = h + u @ p['l%d_hW2' % l] + p['l%d_hb2' % l]
        coef = m @ p['l%d_xW' % l] + p['l%d_xb' % l]
        pos = pos + jax.ops.segment_sum(rel / (jnp.sqrt(d2) + 1.0) * coef, dst, num_segments=N)
    g1 = jax.nn.sigmoid(h @ p['ro_W1g'] + p['ro_b1g'])
    v = swish((h @ p['ro_W1'] + p['ro_b1']) * g1)
    g2 = jax.nn.sigmoid(v @ p['ro_W2g'] + p['ro_b2g'])
    v = swish((v @ p['ro_W2'] + p['ro_b2']) * g2)
    node_out = v @ p['ro_W3'] + p['ro_b3']
    cnt = jax.ops.segment_sum(jnp.ones((node_out.shape[0], 1), jnp.float32), combined_mask, num_segments=NG)
    conf = jax.ops.segment_sum(node_out, combined_mask, num_segments=NG) / jnp.maximum(cnt, 1.0)
    return conf

def reference(xh0, edge_index, t, conditions, n_frag_switch, combined_mask, edge_attr, params):
    return _potential_forward(xh0, t, edge_attr, params, edge_index, combined_mask)

if __name__ == "__main__":
    import jax
    _d = setup_inputs()
    print(jax.jit(kernel)(*tuple(_d.values())))

</pallas_src>

<mosaic_0001>
#map = affine_map<(d0, d1) -> (0, 0)>
#map1 = affine_map<(d0, d1) -> (0, 0, 0)>
module attributes {stable_mosaic.version = 14 : i64} {
  func.func @sc_gather(%arg0: i32, %arg1: i32, %arg2: memref<10240x256xf32, #tpu.memory_space<hbm>>, %arg3: memref<32x158x128xi32, #tpu.memory_space<hbm>>, %arg4: memref<647168x256xf32, #tpu.memory_space<hbm>>, %arg5: memref<158x128xi32, #tpu.memory_space<vmem>>, %arg6: memref<128x256xf32, #tpu.memory_space<vmem>>, %arg7: memref<!tpu.dma_semaphore, #tpu.memory_space<semaphore_mem>>) attributes {dimension_semantics = [#tpu.dimension_semantics<core_parallel>, #tpu.dimension_semantics<subcore_parallel>], iteration_bounds = array<i64: 2, 16>, scalar_prefetch = 0 : i64, scratch_operands = 3 : i64, tpu.core_type = #tpu.core_type<sc_vector_subcore>, window_params = [{transform_indices = #map}, {transform_indices = #map1}, {transform_indices = #map}]} {
    %mul3A = arith.constant 2 : i32
    %mul3A_0 = arith.muli %arg1, %mul3A : i32
    %add3A = arith.addi %mul3A_0, %arg0 : i32
    "tpu.region"() ({
      %run_scoped3A = tpu.sem_alloc : memref<!tpu.dma_semaphore, #tpu.memory_space<semaphore_mem>>
      %dma_start3A = arith.constant 0 : i32
      %dma_start3A_6 = arith.constant 0 : i32
      %dma_start3A_7 = tpu.memref_slice %arg3[%add3A, %dma_start3A, %dma_start3A_6] : memref<32x158x128xi32, #tpu.memory_space<hbm>> -> memref<1x158x128xi32, #tpu.memory_space<hbm>>
      %dma_start3A_8 = tpu.memref_squeeze %dma_start3A_7 : memref<1x158x128xi32, #tpu.memory_space<hbm>> -> memref<158x128xi32, #tpu.memory_space<hbm>>
      %dma_start3A_9 = arith.constant 0 : i32
      %dma_start3A_10 = arith.constant 0 : i32
      %dma_start3A_11 = tpu.memref_slice %arg3[%add3A, %dma_start3A_9, %dma_start3A_10] : memref<32x158x128xi32, #tpu.memory_space<hbm>> -> memref<1x158x128xi32, #tpu.memory_space<hbm>>
      %dma_start3A_12 = tpu.memref_squeeze %dma_start3A_11 : memref<1x158x128xi32, #tpu.memory_space<hbm>> -> memref<158x128xi32, #tpu.memory_space<hbm>>
      tpu.enqueue_dma source(%dma_start3A_12 : memref<158x128xi32, #tpu.memory_space<hbm>>) target(%arg5 : memref<158x128xi32, #tpu.memory_space<vmem>>) target_semaphore(%run_scoped3A : memref<!tpu.dma_semaphore, #tpu.memory_space<semaphore_mem>>)
      %dma_wait3A = arith.constant 0 : i32
      %dma_wait3A_13 = arith.constant 0 : i32
      %dma_wait3A_14 = tpu.memref_slice %arg3[%add3A, %dma_wait3A, %dma_wait3A_13] : memref<32x158x128xi32, #tpu.memory_space<hbm>> -> memref<1x158x128xi32, #tpu.memory_space<hbm>>
      %dma_wait3A_15 = tpu.memref_squeeze %dma_wait3A_14 : memref<1x158x128xi32, #tpu.memory_space<hbm>> -> memref<158x128xi32, #tpu.memory_space<hbm>>
      %dma_wait3A_16 = arith.constant 0 : i32
      %dma_wait3A_17 = arith.constant 0 : i32
      %dma_wait3A_18 = tpu.memref_slice %arg3[%add3A, %dma_wait3A_16, %dma_wait3A_17] : memref<32x158x128xi32, #tpu.memory_space<hbm>> -> memref<1x158x128xi32, #tpu.memory_space<hbm>>
      %dma_wait3A_19 = tpu.memref_squeeze %dma_wait3A_18 : memref<1x158x128xi32, #tpu.memory_space<hbm>> -> memref<158x128xi32, #tpu.memory_space<hbm>>
      tpu.wait_dma2 semaphore(%run_scoped3A : memref<!tpu.dma_semaphore, #tpu.memory_space<semaphore_mem>>) src(%dma_wait3A_19 : memref<158x128xi32, #tpu.memory_space<hbm>>) dst(%arg5 : memref<158x128xi32, #tpu.memory_space<vmem>>)
      tpu.yield
    }) : () -> ()
    %scan3A = arith.constant 0 : i32
    %scan3A_1 = arith.constant 0 : i32
    %scan3A_2 = arith.constant 158 : i32
    %scan3A_3 = arith.addi %scan3A_1, %scan3A_2 : i32
    %scan3A_4 = arith.constant 1 : i32
    scf.for %scan3A_6 = %scan3A_1 to %scan3A_3 step %scan3A_4  : i32 {
      %dma_start3A = arith.constant 0 : i32
      %dma_start3A_7 = tpu.memref_slice %arg5[%scan3A_6, %dma_start3A] : memref<158x128xi32, #tpu.memory_space<vmem>> -> memref<1x128xi32, #tpu.memory_space<vmem>>
      %dma_start3A_8 = tpu.memref_squeeze %dma_start3A_7 : memref<1x128xi32, #tpu.memory_space<vmem>> -> memref<128xi32, #tpu.memory_space<vmem>>
      %dma_start3A_9 = arith.constant 0 : i32
      %dma_start3A_10 = arith.constant 0 : i32
      %dma_start3A_11 = tpu.memref_slice %arg2[%dma_start3A_9, %dma_start3A_10] : memref<10240x256xf32, #tpu.memory_space<hbm>> -> memref<10240x256xf32, #tpu.memory_space<hbm>>
      tpu.enqueue_indirect_dma source(%dma_start3A_11 : memref<10240x256xf32, #tpu.memory_space<hbm>>) target(%arg6 : memref<128x256xf32, #tpu.memory_space<vmem>>) offsets(%dma_start3A_8 : memref<128xi32, #tpu.memory_space<vmem>>) semaphore(%arg7 : memref<!tpu.dma_semaphore, #tpu.memory_space<semaphore_mem>>)
      %dma_wait3A = arith.constant 0 : i32
      %dma_wait3A_12 = tpu.memref_slice %arg5[%scan3A_6, %dma_wait3A] : memref<158x128xi32, #tpu.memory_space<vmem>> -> memref<1x128xi32, #tpu.memory_space<vmem>>
      %dma_wait3A_13 = tpu.memref_squeeze %dma_wait3A_12 : memref<1x128xi32, #tpu.memory_space<vmem>> -> memref<128xi32, #tpu.memory_space<vmem>>
      %dma_wait3A_14 = arith.constant 0 : i32
      %dma_wait3A_15 = arith.constant 0 : i32
      %dma_wait3A_16 = tpu.memref_slice %arg2[%dma_wait3A_14, %dma_wait3A_15] : memref<10240x256xf32, #tpu.memory_space<hbm>> -> memref<10240x256xf32, #tpu.memory_space<hbm>>
      tpu.wait_indirect_dma semaphore(%arg7 : memref<!tpu.dma_semaphore, #tpu.memory_space<semaphore_mem>>) src(%dma_wait3A_16 : memref<10240x256xf32, #tpu.memory_space<hbm>>) dst(%arg6 : memref<128x256xf32, #tpu.memory_space<vmem>>)
      %mul3A_17 = arith.constant 158 : i32
      %mul3A_18 = arith.muli %add3A, %mul3A_17 : i32
      %add3A_19 = arith.addi %mul3A_18, %scan3A_6 : i32
      %mul3A_20 = arith.constant 128 : i32
      %mul3A_21 = arith.muli %add3A_19, %mul3A_20 : i32
      %multiple_of3A = tpu.assume_multiple %mul3A_21, 128 : i32
      "tpu.region"() ({
        %run_scoped3A = tpu.sem_alloc : memref<!tpu.dma_semaphore, #tpu.memory_space<semaphore_mem>>
        %dma_start3A_22 = arith.constant 0 : i32
        %dma_start3A_23 = tpu.memref_slice %arg4[%multiple_of3A, %dma_start3A_22] : memref<647168x256xf32, #tpu.memory_space<hbm>> -> memref<128x256xf32, #tpu.memory_space<hbm>>
        %dma_start3A_24 = arith.constant 0 : i32
        %dma_start3A_25 = tpu.memref_slice %arg4[%multiple_of3A, %dma_start3A_24] : memref<647168x256xf32, #tpu.memory_space<hbm>> -> memref<128x256xf32, #tpu.memory_space<hbm>>
        tpu.enqueue_dma source(%arg6 : memref<128x256xf32, #tpu.memory_space<vmem>>) target(%dma_start3A_25 : memref<128x256xf32, #tpu.memory_space<hbm>>) target_semaphore(%run_scoped3A : memref<!tpu.dma_semaphore, #tpu.memory_space<semaphore_mem>>)
        %dma_wait3A_26 = arith.constant 0 : i32
        %dma_wait3A_27 = tpu.memref_slice %arg4[%multiple_of3A, %dma_wait3A_26] : memref<647168x256xf32, #tpu.memory_space<hbm>> -> memref<128x256xf32, #tpu.memory_space<hbm>>
        %dma_wait3A_28 = arith.constant 0 : i32
        %dma_wait3A_29 = tpu.memref_slice %arg4[%multiple_of3A, %dma_wait3A_28] : memref<647168x256xf32, #tpu.memory_space<hbm>> -> memref<128x256xf32, #tpu.memory_space<hbm>>
        tpu.wait_dma2 semaphore(%run_scoped3A : memref<!tpu.dma_semaphore, #tpu.memory_space<semaphore_mem>>) src(%arg6 : memref<128x256xf32, #tpu.memory_space<vmem>>) dst(%dma_wait3A_29 : memref<128x256xf32, #tpu.memory_space<hbm>>)
        tpu.yield
      }) : () -> ()
    }
    %scan3A_5 = arith.constant 158 : i32
    return
  }
}

#map = affine_map<(d0, d1) -> (0, 0)>
#map1 = affine_map<(d0, d1) -> (0, 0, 0)>
module attributes {stable_mosaic.version = 14 : i64} {
  func.func @sc_gather(%arg0: i32, %arg1: i32, %arg2: memref<10240x256xf32, #tpu.memory_space<hbm>>, %arg3: memref<32x158x128xi32, #tpu.memory_space<hbm>>, %arg4: memref<647168x256xf32, #tpu.memory_space<hbm>>, %arg5: memref<158x128xi32, #tpu.memory_space<vmem>>, %arg6: memref<128x256xf32, #tpu.memory_space<vmem>>, %arg7: memref<!tpu.dma_semaphore, #tpu.memory_space<semaphore_mem>>) attributes {dimension_semantics = [#tpu.dimension_semantics<core_parallel>, #tpu.dimension_semantics<subcore_parallel>], iteration_bounds = array<i64: 2, 16>, scalar_prefetch = 0 : i64, scratch_operands = 3 : i64, tpu.core_type = #tpu.core_type<sc_vector_subcore>, window_params = [{transform_indices = #map}, {transform_indices = #map1}, {transform_indices = #map}]} {
    %mul3A = arith.constant 2 : i32
    %mul3A_0 = arith.muli %arg1, %mul3A : i32
    %add3A = arith.addi %mul3A_0, %arg0 : i32
    "tpu.region"() ({
      %run_scoped3A = tpu.sem_alloc : memref<!tpu.dma_semaphore, #tpu.memory_space<semaphore_mem>>
      %dma_start3A = arith.constant 0 : i32
      %dma_start3A_6 = arith.constant 0 : i32
      %dma_start3A_7 = tpu.memref_slice %arg3[%add3A, %dma_start3A, %dma_start3A_6] : memref<32x158x128xi32, #tpu.memory_space<hbm>> -> memref<1x158x128xi32, #tpu.memory_space<hbm>>
      %dma_start3A_8 = tpu.memref_squeeze %dma_start3A_7 : memref<1x158x128xi32, #tpu.memory_space<hbm>> -> memref<158x128xi32, #tpu.memory_space<hbm>>
      %dma_start3A_9 = arith.constant 0 : i32
      %dma_start3A_10 = arith.constant 0 : i32
      %dma_start3A_11 = tpu.memref_slice %arg3[%add3A, %dma_start3A_9, %dma_start3A_10] : memref<32x158x128xi32, #tpu.memory_space<hbm>> -> memref<1x158x128xi32, #tpu.memory_space<hbm>>
      %dma_start3A_12 = tpu.memref_squeeze %dma_start3A_11 : memref<1x158x128xi32, #tpu.memory_space<hbm>> -> memref<158x128xi32, #tpu.memory_space<hbm>>
      tpu.enqueue_dma source(%dma_start3A_12 : memref<158x128xi32, #tpu.memory_space<hbm>>) target(%arg5 : memref<158x128xi32, #tpu.memory_space<vmem>>) target_semaphore(%run_scoped3A : memref<!tpu.dma_semaphore, #tpu.memory_space<semaphore_mem>>)
      %dma_wait3A = arith.constant 0 : i32
      %dma_wait3A_13 = arith.constant 0 : i32
      %dma_wait3A_14 = tpu.memref_slice %arg3[%add3A, %dma_wait3A, %dma_wait3A_13] : memref<32x158x128xi32, #tpu.memory_space<hbm>> -> memref<1x158x128xi32, #tpu.memory_space<hbm>>
      %dma_wait3A_15 = tpu.memref_squeeze %dma_wait3A_14 : memref<1x158x128xi32, #tpu.memory_space<hbm>> -> memref<158x128xi32, #tpu.memory_space<hbm>>
      %dma_wait3A_16 = arith.constant 0 : i32
      %dma_wait3A_17 = arith.constant 0 : i32
      %dma_wait3A_18 = tpu.memref_slice %arg3[%add3A, %dma_wait3A_16, %dma_wait3A_17] : memref<32x158x128xi32, #tpu.memory_space<hbm>> -> memref<1x158x128xi32, #tpu.memory_space<hbm>>
      %dma_wait3A_19 = tpu.memref_squeeze %dma_wait3A_18 : memref<1x158x128xi32, #tpu.memory_space<hbm>> -> memref<158x128xi32, #tpu.memory_space<hbm>>
      tpu.wait_dma2 semaphore(%run_scoped3A : memref<!tpu.dma_semaphore, #tpu.memory_space<semaphore_mem>>) src(%dma_wait3A_19 : memref<158x128xi32, #tpu.memory_space<hbm>>) dst(%arg5 : memref<158x128xi32, #tpu.memory_space<vmem>>)
      tpu.yield
    }) : () -> ()
    %scan3A = arith.constant 0 : i32
    %scan3A_1 = arith.constant 0 : i32
    %scan3A_2 = arith.constant 158 : i32
    %scan3A_3 = arith.addi %scan3A_1, %scan3A_2 : i32
    %scan3A_4 = arith.constant 1 : i32
    scf.for %scan3A_6 = %scan3A_1 to %scan3A_3 step %scan3A_4  : i32 {
      %dma_start3A = arith.constant 0 : i32
      %dma_start3A_7 = tpu.memref_slice %arg5[%scan3A_6, %dma_start3A] : memref<158x128xi32, #tpu.memory_space<vmem>> -> memref<1x128xi32, #tpu.memory_space<vmem>>
      %dma_start3A_8 = tpu.memref_squeeze %dma_start3A_7 : memref<1x128xi32, #tpu.memory_space<vmem>> -> memref<128xi32, #tpu.memory_space<vmem>>
      %dma_start3A_9 = arith.constant 0 : i32
      %dma_start3A_10 = arith.constant 0 : i32
      %dma_start3A_11 = tpu.memref_slice %arg2[%dma_start3A_9, %dma_start3A_10] : memref<10240x256xf32, #tpu.memory_space<hbm>> -> memref<10240x256xf32, #tpu.memory_space<hbm>>
      tpu.enqueue_indirect_dma source(%dma_start3A_11 : memref<10240x256xf32, #tpu.memory_space<hbm>>) target(%arg6 : memref<128x256xf32, #tpu.memory_space<vmem>>) offsets(%dma_start3A_8 : memref<128xi32, #tpu.memory_space<vmem>>) semaphore(%arg7 : memref<!tpu.dma_semaphore, #tpu.memory_space<semaphore_mem>>)
      %dma_wait3A = arith.constant 0 : i32
      %dma_wait3A_12 = tpu.memref_slice %arg5[%scan3A_6, %dma_wait3A] : memref<158x128xi32, #tpu.memory_space<vmem>> -> memref<1x128xi32, #tpu.memory_space<vmem>>
      %dma_wait3A_13 = tpu.memref_squeeze %dma_wait3A_12 : memref<1x128xi32, #tpu.memory_space<vmem>> -> memref<128xi32, #tpu.memory_space<vmem>>
      %dma_wait3A_14 = arith.constant 0 : i32
      %dma_wait3A_15 = arith.constant 0 : i32
      %dma_wait3A_16 = tpu.memref_slice %arg2[%dma_wait3A_14, %dma_wait3A_15] : memref<10240x256xf32, #tpu.memory_space<hbm>> -> memref<10240x256xf32, #tpu.memory_space<hbm>>
      tpu.wait_indirect_dma semaphore(%arg7 : memref<!tpu.dma_semaphore, #tpu.memory_space<semaphore_mem>>) src(%dma_wait3A_16 : memref<10240x256xf32, #tpu.memory_space<hbm>>) dst(%arg6 : memref<128x256xf32, #tpu.memory_space<vmem>>)
      %mul3A_17 = arith.constant 158 : i32
      %mul3A_18 = arith.muli %add3A, %mul3A_17 : i32
      %add3A_19 = arith.addi %mul3A_18, %scan3A_6 : i32
      %mul3A_20 = arith.constant 128 : i32
      %mul3A_21 = arith.muli %add3A_19, %mul3A_20 : i32
      %multiple_of3A = tpu.assume_multiple %mul3A_21, 128 : i32
      "tpu.region"() ({
        %run_scoped3A = tpu.sem_alloc : memref<!tpu.dma_semaphore, #tpu.memory_space<semaphore_mem>>
        %dma_start3A_22 = arith.constant 0 : i32
        %dma_start3A_23 = tpu.memref_slice %arg4[%multiple_of3A, %dma_start3A_22] : memref<647168x256xf32, #tpu.memory_space<hbm>> -> memref<128x256xf32, #tpu.memory_space<hbm>>
        %dma_start3A_24 = arith.constant 0 : i32
        %dma_start3A_25 = tpu.memref_slice %arg4[%multiple_of3A, %dma_start3A_24] : memref<647168x256xf32, #tpu.memory_space<hbm>> -> memref<128x256xf32, #tpu.memory_space<hbm>>
        tpu.enqueue_dma source(%arg6 : memref<128x256xf32, #tpu.memory_space<vmem>>) target(%dma_start3A_25 : memref<128x256xf32, #tpu.memory_space<hbm>>) target_semaphore(%run_scoped3A : memref<!tpu.dma_semaphore, #tpu.memory_space<semaphore_mem>>)
        %dma_wait3A_26 = arith.constant 0 : i32
        %dma_wait3A_27 = tpu.memref_slice %arg4[%multiple_of3A, %dma_wait3A_26] : memref<647168x256xf32, #tpu.memory_space<hbm>> -> memref<128x256xf32, #tpu.memory_space<hbm>>
        %dma_wait3A_28 = arith.constant 0 : i32
        %dma_wait3A_29 = tpu.memref_slice %arg4[%multiple_of3A, %dma_wait3A_28] : memref<647168x256xf32, #tpu.memory_space<hbm>> -> memref<128x256xf32, #tpu.memory_space<hbm>>
        tpu.wait_dma2 semaphore(%run_scoped3A : memref<!tpu.dma_semaphore, #tpu.memory_space<semaphore_mem>>) src(%arg6 : memref<128x256xf32, #tpu.memory_space<vmem>>) dst(%dma_wait3A_29 : memref<128x256xf32, #tpu.memory_space<hbm>>)
        tpu.yield
      }) : () -> ()
    }
    %scan3A_5 = arith.constant 158 : i32
    return
  }
}

#map = affine_map<(d0, d1) -> (0, 0)>
#map1 = affine_map<(d0, d1) -> (0, 0, 0)>
module attributes {stable_mosaic.version = 14 : i64} {
  func.func @sc_scatter(%arg0: i32, %arg1: i32, %arg2: memref<323584x128xf32, #tpu.memory_space<hbm>>, %arg3: memref<323584x128xf32, #tpu.memory_space<hbm>>, %arg4: memref<16x158x128xi32, #tpu.memory_space<hbm>>, %arg5: memref<10240x128xf32, #tpu.memory_space<hbm>>, %arg6: memref<2x10240x128xf32, #tpu.memory_space<hbm>>, %arg7: memref<158x128xi32, #tpu.memory_space<vmem>>, %arg8: memref<128x128xf32, #tpu.memory_space<vmem>>, %arg9: memref<10240x128xf32, #tpu.memory_space<vmem_shared>>, %arg10: memref<!tpu.dma_semaphore, #tpu.memory_space<semaphore_mem>>) attributes {dimension_semantics = [#tpu.dimension_semantics<core_parallel>, #tpu.dimension_semantics<subcore_parallel>], iteration_bounds = array<i64: 2, 16>, scalar_prefetch = 0 : i64, scratch_operands = 4 : i64, tpu.core_type = #tpu.core_type<sc_vector_subcore>, window_params = [{transform_indices = #map}, {transform_indices = #map}, {transform_indices = #map1}, {transform_indices = #map}, {transform_indices = #map1}]} {
    %mul3A = arith.constant 640 : i32
    %mul3A_0 = arith.muli %arg1, %mul3A : i32
    %multiple_of3A = tpu.assume_multiple %mul3A_0, 8 : i32
    "tpu.region"() ({
      %run_scoped3A = tpu.sem_alloc : memref<!tpu.dma_semaphore, #tpu.memory_space<semaphore_mem>>
      %dma_start3A = arith.constant 0 : i32
      %dma_start3A_9 = tpu.memref_slice %arg9[%multiple_of3A, %dma_start3A] : memref<10240x128xf32, #tpu.memory_space<vmem_shared>> -> memref<640x128xf32, #tpu.memory_space<vmem_shared>>
      %dma_start3A_10 = arith.constant 0 : i32
      %dma_start3A_11 = tpu.memref_slice %arg5[%multiple_of3A, %dma_start3A_10] : memref<10240x128xf32, #tpu.memory_space<hbm>> -> memref<640x128xf32, #tpu.memory_space<hbm>>
      tpu.enqueue_dma source(%dma_start3A_11 : memref<640x128xf32, #tpu.memory_space<hbm>>) target(%dma_start3A_9 : memref<640x128xf32, #tpu.memory_space<vmem_shared>>) target_semaphore(%run_scoped3A : memref<!tpu.dma_semaphore, #tpu.memory_space<semaphore_mem>>)
      %dma_wait3A = arith.constant 0 : i32
      %dma_wait3A_12 = tpu.memref_slice %arg9[%multiple_of3A, %dma_wait3A] : memref<10240x128xf32, #tpu.memory_space<vmem_shared>> -> memref<640x128xf32, #tpu.memory_space<vmem_shared>>
      %dma_wait3A_13 = arith.constant 0 : i32
      %dma_wait3A_14 = tpu.memref_slice %arg5[%multiple_of3A, %dma_wait3A_13] : memref<10240x128xf32, #tpu.memory_space<hbm>> -> memref<640x128xf32, #tpu.memory_space<hbm>>
      tpu.wait_dma2 semaphore(%run_scoped3A : memref<!tpu.dma_semaphore, #tpu.memory_space<semaphore_mem>>) src(%dma_wait3A_14 : memref<640x128xf32, #tpu.memory_space<hbm>>) dst(%dma_wait3A_12 : memref<640x128xf32, #tpu.memory_space<vmem_shared>>)
      tpu.yield
    }) : () -> ()
    "tpu.region"() ({
      %run_scoped3A = tpu.sem_alloc : memref<!tpu.dma_semaphore, #tpu.memory_space<semaphore_mem>>
      %dma_start3A = arith.constant 0 : i32
      %dma_start3A_9 = arith.constant 0 : i32
      %dma_start3A_10 = tpu.memref_slice %arg4[%arg1, %dma_start3A, %dma_start3A_9] : memref<16x158x128xi32, #tpu.memory_space<hbm>> -> memref<1x158x128xi32, #tpu.memory_space<hbm>>
      %dma_start3A_11 = tpu.memref_squeeze %dma_start3A_10 : memref<1x158x128xi32, #tpu.memory_space<hbm>> -> memref<158x128xi32, #tpu.memory_space<hbm>>
      %dma_start3A_12 = arith.constant 0 : i32
      %dma_start3A_13 = arith.constant 0 : i32
      %dma_start3A_14 = tpu.memref_slice %arg4[%arg1, %dma_start3A_12, %dma_start3A_13] : memref<16x158x128xi32, #tpu.memory_space<hbm>> -> memref<1x158x128xi32, #tpu.memory_space<hbm>>
      %dma_start3A_15 = tpu.memref_squeeze %dma_start3A_14 : memref<1x158x128xi32, #tpu.memory_space<hbm>> -> memref<158x128xi32, #tpu.memory_space<hbm>>
      tpu.enqueue_dma source(%dma_start3A_15 : memref<158x128xi32, #tpu.memory_space<hbm>>) target(%arg7 : memref<158x128xi32, #tpu.memory_space<vmem>>) target_semaphore(%run_scoped3A : memref<!tpu.dma_semaphore, #tpu.memory_space<semaphore_mem>>)
      %dma_wait3A = arith.constant 0 : i32
      %dma_wait3A_16 = arith.constant 0 : i32
      %dma_wait3A_17 = tpu.memref_slice %arg4[%arg1, %dma_wait3A, %dma_wait3A_16] : memref<16x158x128xi32, #tpu.memory_space<hbm>> -> memref<1x158x128xi32, #tpu.memory_space<hbm>>
      %dma_wait3A_18 = tpu.memref_squeeze %dma_wait3A_17 : memref<1x158x128xi32, #tpu.memory_space<hbm>> -> memref<158x128xi32, #tpu.memory_space<hbm>>
      %dma_wait3A_19 = arith.constant 0 : i32
      %dma_wait3A_20 = arith.constant 0 : i32
      %dma_wait3A_21 = tpu.memref_slice %arg4[%arg1, %dma_wait3A_19, %dma_wait3A_20] : memref<16x158x128xi32, #tpu.memory_space<hbm>> -> memref<1x158x128xi32, #tpu.memory_space<hbm>>
      %dma_wait3A_22 = tpu.memref_squeeze %dma_wait3A_21 : memref<1x158x128xi32, #tpu.memory_space<hbm>> -> memref<158x128xi32, #tpu.memory_space<hbm>>
      tpu.wait_dma2 semaphore(%run_scoped3A : memref<!tpu.dma_semaphore, #tpu.memory_space<semaphore_mem>>) src(%dma_wait3A_22 : memref<158x128xi32, #tpu.memory_space<hbm>>) dst(%arg7 : memref<158x128xi32, #tpu.memory_space<vmem>>)
      tpu.yield
    }) : () -> ()
    %barrier3A = arith.constant 0 : index
    tpu.barrier barrier_id(%barrier3A)
    %eq3A = arith.constant 0 : i32
    %eq3A_1 = arith.cmpi eq, %arg0, %eq3A : i32
    %convert_element_type3A = arith.extui %eq3A_1 : i1 to i32
    %cond3A = arith.constant 0 : i32
    %cond3A_2 = arith.cmpi ne, %convert_element_type3A, %cond3A : i32
    scf.if %cond3A_2 {
      %scan3A = arith.constant 0 : i32
      %scan3A_9 = arith.constant 0 : i32
      %scan3A_10 = arith.constant 158 : i32
      %scan3A_11 = arith.addi %scan3A_9, %scan3A_10 : i32
      %scan3A_12 = arith.constant 1 : i32
      scf.for %scan3A_14 = %scan3A_9 to %scan3A_11 step %scan3A_12  : i32 {
        %mul3A_15 = arith.constant 158 : i32
        %mul3A_16 = arith.muli %arg1, %mul3A_15 : i32
        %add3A = arith.addi %mul3A_16, %scan3A_14 : i32
        %mul3A_17 = arith.constant 128 : i32
        %mul3A_18 = arith.muli %add3A, %mul3A_17 : i32
        %multiple_of3A_19 = tpu.assume_multiple %mul3A_18, 128 : i32
        "tpu.region"() ({
          %run_scoped3A = tpu.sem_alloc : memref<!tpu.dma_semaphore, #tpu.memory_space<semaphore_mem>>
          %dma_start3A = arith.constant 0 : i32
          %dma_start3A_20 = tpu.memref_slice %arg2[%multiple_of3A_19, %dma_start3A] : memref<323584x128xf32, #tpu.memory_space<hbm>> -> memref<128x128xf32, #tpu.memory_space<hbm>>
          %dma_start3A_21 = arith.constant 0 : i32
          %dma_start3A_22 = tpu.memref_slice %arg2[%multiple_of3A_19, %dma_start3A_21] : memref<323584x128xf32, #tpu.memory_space<hbm>> -> memref<128x128xf32, #tpu.memory_space<hbm>>
          tpu.enqueue_dma source(%dma_start3A_22 : memref<128x128xf32, #tpu.memory_space<hbm>>) target(%arg8 : memref<128x128xf32, #tpu.memory_space<vmem>>) target_semaphore(%run_scoped3A : memref<!tpu.dma_semaphore, #tpu.memory_space<semaphore_mem>>)
          %dma_wait3A = arith.constant 0 : i32
          %dma_wait3A_23 = tpu.memref_slice %arg2[%multiple_of3A_19, %dma_wait3A] : memref<323584x128xf32, #tpu.memory_space<hbm>> -> memref<128x128xf32, #tpu.memory_space<hbm>>
          %dma_wait3A_24 = arith.constant 0 : i32
          %dma_wait3A_25 = tpu.memref_slice %arg2[%multiple_of3A_19, %dma_wait3A_24] : memref<323584x128xf32, #tpu.memory_space<hbm>> -> memref<128x128xf32, #tpu.memory_space<hbm>>
          tpu.wait_dma2 semaphore(%run_scoped3A : memref<!tpu.dma_semaphore, #tpu.memory_space<semaphore_mem>>) src(%dma_wait3A_25 : memref<128x128xf32, #tpu.memory_space<hbm>>) dst(%arg8 : memref<128x128xf32, #tpu.memory_space<vmem>>)
          tpu.yield
        }) : () -> ()
        "tpu.region"() ({
          %run_scoped3A = tpu.sem_alloc : memref<!tpu.dma_semaphore, #tpu.memory_space<semaphore_mem>>
          %dma_start3A = arith.constant 0 : i32
          %dma_start3A_20 = tpu.memref_slice %arg7[%scan3A_14, %dma_start3A] : memref<158x128xi32, #tpu.memory_space<vmem>> -> memref<1x128xi32, #tpu.memory_space<vmem>>
          %dma_start3A_21 = tpu.memref_squeeze %dma_start3A_20 : memref<1x128xi32, #tpu.memory_space<vmem>> -> memref<128xi32, #tpu.memory_space<vmem>>
          %dma_start3A_22 = arith.constant 0 : i32
          %dma_start3A_23 = arith.constant 0 : i32
          %dma_start3A_24 = tpu.memref_slice %arg9[%dma_start3A_22, %dma_start3A_23] : memref<10240x128xf32, #tpu.memory_space<vmem_shared>> -> memref<10240x128xf32, #tpu.memory_space<vmem_shared>>
          tpu.enqueue_indirect_dma source(%arg8 : memref<128x128xf32, #tpu.memory_space<vmem>>) target(%dma_start3A_24 : memref<10240x128xf32, #tpu.memory_space<vmem_shared>>) offsets(%dma_start3A_21 : memref<128xi32, #tpu.memory_space<vmem>>) semaphore(%run_scoped3A : memref<!tpu.dma_semaphore, #tpu.memory_space<semaphore_mem>>) {add = true}
          %dma_wait3A = arith.constant 0 : i32
          %dma_wait3A_25 = tpu.memref_slice %arg7[%scan3A_14, %dma_wait3A] : memref<158x128xi32, #tpu.memory_space<vmem>> -> memref<1x128xi32, #tpu.memory_space<vmem>>
          %dma_wait3A_26 = tpu.memref_squeeze %dma_wait3A_25 : memref<1x128xi32, #tpu.memory_space<vmem>> -> memref<128xi32, #tpu.memory_space<vmem>>
          %dma_wait3A_27 = arith.constant 0 : i32
          %dma_wait3A_28 = arith.constant 0 : i32
          %dma_wait3A_29 = tpu.memref_slice %arg9[%dma_wait3A_27, %dma_wait3A_28] : memref<10240x128xf32, #tpu.memory_space<vmem_shared>> -> memref<10240x128xf32, #tpu.memory_space<vmem_shared>>
          tpu.wait_indirect_dma semaphore(%run_scoped3A : memref<!tpu.dma_semaphore, #tpu.memory_space<semaphore_mem>>) src(%arg8 : memref<128x128xf32, #tpu.memory_space<vmem>>) dst(%dma_wait3A_29 : memref<10240x128xf32, #tpu.memory_space<vmem_shared>>)
          tpu.yield
        }) : () -> ()
      }
      %scan3A_13 = arith.constant 158 : i32
    } else {
    }
    %eq3A_3 = arith.constant 1 : i32
    %eq3A_4 = arith.cmpi eq, %arg0, %eq3A_3 : i32
    %convert_element_type3A_5 = arith.extui %eq3A_4 : i1 to i32
    %cond3A_6 = arith.constant 0 : i32
    %cond3A_7 = arith.cmpi ne, %convert_element_type3A_5, %cond3A_6 : i32
    scf.if %cond3A_7 {
      %scan3A = arith.constant 0 : i32
      %scan3A_9 = arith.constant 0 : i32
      %scan3A_10 = arith.constant 158 : i32
      %scan3A_11 = arith.addi %scan3A_9, %scan3A_10 : i32
      %scan3A_12 = arith.constant 1 : i32
      scf.for %scan3A_14 = %scan3A_9 to %scan3A_11 step %scan3A_12  : i32 {
        %mul3A_15 = arith.constant 158 : i32
        %mul3A_16 = arith.muli %arg1, %mul3A_15 : i32
        %add3A = arith.addi %mul3A_16, %scan3A_14 : i32
        %mul3A_17 = arith.constant 128 : i32
        %mul3A_18 = arith.muli %add3A, %mul3A_17 : i32
        %multiple_of3A_19 = tpu.assume_multiple %mul3A_18, 128 : i32
        "tpu.region"() ({
          %run_scoped3A = tpu.sem_alloc : memref<!tpu.dma_semaphore, #tpu.memory_space<semaphore_mem>>
          %dma_start3A = arith.constant 0 : i32
          %dma_start3A_20 = tpu.memref_slice %arg3[%multiple_of3A_19, %dma_start3A] : memref<323584x128xf32, #tpu.memory_space<hbm>> -> memref<128x128xf32, #tpu.memory_space<hbm>>
          %dma_start3A_21 = arith.constant 0 : i32
          %dma_start3A_22 = tpu.memref_slice %arg3[%multiple_of3A_19, %dma_start3A_21] : memref<323584x128xf32, #tpu.memory_space<hbm>> -> memref<128x128xf32, #tpu.memory_space<hbm>>
          tpu.enqueue_dma source(%dma_start3A_22 : memref<128x128xf32, #tpu.memory_space<hbm>>) target(%arg8 : memref<128x128xf32, #tpu.memory_space<vmem>>) target_semaphore(%run_scoped3A : memref<!tpu.dma_semaphore, #tpu.memory_space<semaphore_mem>>)
          %dma_wait3A = arith.constant 0 : i32
          %dma_wait3A_23 = tpu.memref_slice %arg3[%multiple_of3A_19, %dma_wait3A] : memref<323584x128xf32, #tpu.memory_space<hbm>> -> memref<128x128xf32, #tpu.memory_space<hbm>>
          %dma_wait3A_24 = arith.constant 0 : i32
          %dma_wait3A_25 = tpu.memref_slice %arg3[%multiple_of3A_19, %dma_wait3A_24] : memref<323584x128xf32, #tpu.memory_space<hbm>> -> memref<128x128xf32, #tpu.memory_space<hbm>>
          tpu.wait_dma2 semaphore(%run_scoped3A : memref<!tpu.dma_semaphore, #tpu.memory_space<semaphore_mem>>) src(%dma_wait3A_25 : memref<128x128xf32, #tpu.memory_space<hbm>>) dst(%arg8 : memref<128x128xf32, #tpu.memory_space<vmem>>)
          tpu.yield
        }) : () -> ()
        "tpu.region"() ({
          %run_scoped3A = tpu.sem_alloc : memref<!tpu.dma_semaphore, #tpu.memory_space<semaphore_mem>>
          %dma_start3A = arith.constant 0 : i32
          %dma_start3A_20 = tpu.memref_slice %arg7[%scan3A_14, %dma_start3A] : memref<158x128xi32, #tpu.memory_space<vmem>> -> memref<1x128xi32, #tpu.memory_space<vmem>>
          %dma_start3A_21 = tpu.memref_squeeze %dma_start3A_20 : memref<1x128xi32, #tpu.memory_space<vmem>> -> memref<128xi32, #tpu.memory_space<vmem>>
          %dma_start3A_22 = arith.constant 0 : i32
          %dma_start3A_23 = arith.constant 0 : i32
          %dma_start3A_24 = tpu.memref_slice %arg9[%dma_start3A_22, %dma_start3A_23] : memref<10240x128xf32, #tpu.memory_space<vmem_shared>> -> memref<10240x128xf32, #tpu.memory_space<vmem_shared>>
          tpu.enqueue_indirect_dma source(%arg8 : memref<128x128xf32, #tpu.memory_space<vmem>>) target(%dma_start3A_24 : memref<10240x128xf32, #tpu.memory_space<vmem_shared>>) offsets(%dma_start3A_21 : memref<128xi32, #tpu.memory_space<vmem>>) semaphore(%run_scoped3A : memref<!tpu.dma_semaphore, #tpu.memory_space<semaphore_mem>>) {add = true}
          %dma_wait3A = arith.constant 0 : i32
          %dma_wait3A_25 = tpu.memref_slice %arg7[%scan3A_14, %dma_wait3A] : memref<158x128xi32, #tpu.memory_space<vmem>> -> memref<1x128xi32, #tpu.memory_space<vmem>>
          %dma_wait3A_26 = tpu.memref_squeeze %dma_wait3A_25 : memref<1x128xi32, #tpu.memory_space<vmem>> -> memref<128xi32, #tpu.memory_space<vmem>>
          %dma_wait3A_27 = arith.constant 0 : i32
          %dma_wait3A_28 = arith.constant 0 : i32
          %dma_wait3A_29 = tpu.memref_slice %arg9[%dma_wait3A_27, %dma_wait3A_28] : memref<10240x128xf32, #tpu.memory_space<vmem_shared>> -> memref<10240x128xf32, #tpu.memory_space<vmem_shared>>
          tpu.wait_indirect_dma semaphore(%run_scoped3A : memref<!tpu.dma_semaphore, #tpu.memory_space<semaphore_mem>>) src(%arg8 : memref<128x128xf32, #tpu.memory_space<vmem>>) dst(%dma_wait3A_29 : memref<10240x128xf32, #tpu.memory_space<vmem_shared>>)
          tpu.yield
        }) : () -> ()
      }
      %scan3A_13 = arith.constant 158 : i32
    } else {
    }
    %barrier3A_8 = arith.constant 0 : index
    tpu.barrier barrier_id(%barrier3A_8)
    "tpu.region"() ({
      %run_scoped3A = tpu.sem_alloc : memref<!tpu.dma_semaphore, #tpu.memory_space<semaphore_mem>>
      %dma_start3A = arith.constant 0 : i32
      %dma_start3A_9 = tpu.memref_slice %arg6[%arg0, %multiple_of3A, %dma_start3A] : memref<2x10240x128xf32, #tpu.memory_space<hbm>> -> memref<1x640x128xf32, #tpu.memory_space<hbm>>
      %dma_start3A_10 = tpu.memref_squeeze %dma_start3A_9 : memref<1x640x128xf32, #tpu.memory_space<hbm>> -> memref<640x128xf32, #tpu.memory_space<hbm>>
      %dma_start3A_11 = arith.constant 0 : i32
      %dma_start3A_12 = tpu.memref_slice %arg9[%multiple_of3A, %dma_start3A_11] : memref<10240x128xf32, #tpu.memory_space<vmem_shared>> -> memref<640x128xf32, #tpu.memory_space<vmem_shared>>
      tpu.enqueue_dma source(%dma_start3A_12 : memref<640x128xf32, #tpu.memory_space<vmem_shared>>) target(%dma_start3A_10 : memref<640x128xf32, #tpu.memory_space<hbm>>) target_semaphore(%run_scoped3A : memref<!tpu.dma_semaphore, #tpu.memory_space<semaphore_mem>>)
      %dma_wait3A = arith.constant 0 : i32
      %dma_wait3A_13 = tpu.memref_slice %arg6[%arg0, %multiple_of3A, %dma_wait3A] : memref<2x10240x128xf32, #tpu.memory_space<hbm>> -> memref<1x640x128xf32, #tpu.memory_space<hbm>>
      %dma_wait3A_14 = tpu.memref_squeeze %dma_wait3A_13 : memref<1x640x128xf32, #tpu.memory_space<hbm>> -> memref<640x128xf32, #tpu.memory_space<hbm>>
      %dma_wait3A_15 = arith.constant 0 : i32
      %dma_wait3A_16 = tpu.memref_slice %arg9[%multiple_of3A, %dma_wait3A_15] : memref<10240x128xf32, #tpu.memory_space<vmem_shared>> -> memref<640x128xf32, #tpu.memory_space<vmem_shared>>
      tpu.wait_dma2 semaphore(%run_scoped3A : memref<!tpu.dma_semaphore, #tpu.memory_space<semaphore_mem>>) src(%dma_wait3A_16 : memref<640x128xf32, #tpu.memory_space<vmem_shared>>) dst(%dma_wait3A_14 : memref<640x128xf32, #tpu.memory_space<hbm>>)
      tpu.yield
    }) : () -> ()
    return
  }
}

#map = affine_map<(d0, d1) -> (0, 0)>
#map1 = affine_map<(d0, d1) -> (0, 0, 0)>
module attributes {stable_mosaic.version = 14 : i64} {
  func.func @sc_scatter(%arg0: i32, %arg1: i32, %arg2: memref<323584x128xf32, #tpu.memory_space<hbm>>, %arg3: memref<323584x128xf32, #tpu.memory_space<hbm>>, %arg4: memref<16x158x128xi32, #tpu.memory_space<hbm>>, %arg5: memref<10240x128xf32, #tpu.memory_space<hbm>>, %arg6: memref<2x10240x128xf32, #tpu.memory_space<hbm>>, %arg7: memref<158x128xi32, #tpu.memory_space<vmem>>, %arg8: memref<128x128xf32, #tpu.memory_space<vmem>>, %arg9: memref<10240x128xf32, #tpu.memory_space<vmem_shared>>, %arg10: memref<!tpu.dma_semaphore, #tpu.memory_space<semaphore_mem>>) attributes {dimension_semantics = [#tpu.dimension_semantics<core_parallel>, #tpu.dimension_semantics<subcore_parallel>], iteration_bounds = array<i64: 2, 16>, scalar_prefetch = 0 : i64, scratch_operands = 4 : i64, tpu.core_type = #tpu.core_type<sc_vector_subcore>, window_params = [{transform_indices = #map}, {transform_indices = #map}, {transform_indices = #map1}, {transform_indices = #map}, {transform_indices = #map1}]} {
    %mul3A = arith.constant 640 : i32
    %mul3A_0 = arith.muli %arg1, %mul3A : i32
    %multiple_of3A = tpu.assume_multiple %mul3A_0, 8 : i32
    "tpu.region"() ({
      %run_scoped3A = tpu.sem_alloc : memref<!tpu.dma_semaphore, #tpu.memory_space<semaphore_mem>>
      %dma_start3A = arith.constant 0 : i32
      %dma_start3A_9 = tpu.memref_slice %arg9[%multiple_of3A, %dma_start3A] : memref<10240x128xf32, #tpu.memory_space<vmem_shared>> -> memref<640x128xf32, #tpu.memory_space<vmem_shared>>
      %dma_start3A_10 = arith.constant 0 : i32
      %dma_start3A_11 = tpu.memref_slice %arg5[%multiple_of3A, %dma_start3A_10] : memref<10240x128xf32, #tpu.memory_space<hbm>> -> memref<640x128xf32, #tpu.memory_space<hbm>>
      tpu.enqueue_dma source(%dma_start3A_11 : memref<640x128xf32, #tpu.memory_space<hbm>>) target(%dma_start3A_9 : memref<640x128xf32, #tpu.memory_space<vmem_shared>>) target_semaphore(%run_scoped3A : memref<!tpu.dma_semaphore, #tpu.memory_space<semaphore_mem>>)
      %dma_wait3A = arith.constant 0 : i32
      %dma_wait3A_12 = tpu.memref_slice %arg9[%multiple_of3A, %dma_wait3A] : memref<10240x128xf32, #tpu.memory_space<vmem_shared>> -> memref<640x128xf32, #tpu.memory_space<vmem_shared>>
      %dma_wait3A_13 = arith.constant 0 : i32
      %dma_wait3A_14 = tpu.memref_slice %arg5[%multiple_of3A, %dma_wait3A_13] : memref<10240x128xf32, #tpu.memory_space<hbm>> -> memref<640x128xf32, #tpu.memory_space<hbm>>
      tpu.wait_dma2 semaphore(%run_scoped3A : memref<!tpu.dma_semaphore, #tpu.memory_space<semaphore_mem>>) src(%dma_wait3A_14 : memref<640x128xf32, #tpu.memory_space<hbm>>) dst(%dma_wait3A_12 : memref<640x128xf32, #tpu.memory_space<vmem_shared>>)
      tpu.yield
    }) : () -> ()
    "tpu.region"() ({
      %run_scoped3A = tpu.sem_alloc : memref<!tpu.dma_semaphore, #tpu.memory_space<semaphore_mem>>
      %dma_start3A = arith.constant 0 : i32
      %dma_start3A_9 = arith.constant 0 : i32
      %dma_start3A_10 = tpu.memref_slice %arg4[%arg1, %dma_start3A, %dma_start3A_9] : memref<16x158x128xi32, #tpu.memory_space<hbm>> -> memref<1x158x128xi32, #tpu.memory_space<hbm>>
      %dma_start3A_11 = tpu.memref_squeeze %dma_start3A_10 : memref<1x158x128xi32, #tpu.memory_space<hbm>> -> memref<158x128xi32, #tpu.memory_space<hbm>>
      %dma_start3A_12 = arith.constant 0 : i32
      %dma_start3A_13 = arith.constant 0 : i32
      %dma_start3A_14 = tpu.memref_slice %arg4[%arg1, %dma_start3A_12, %dma_start3A_13] : memref<16x158x128xi32, #tpu.memory_space<hbm>> -> memref<1x158x128xi32, #tpu.memory_space<hbm>>
      %dma_start3A_15 = tpu.memref_squeeze %dma_start3A_14 : memref<1x158x128xi32, #tpu.memory_space<hbm>> -> memref<158x128xi32, #tpu.memory_space<hbm>>
      tpu.enqueue_dma source(%dma_start3A_15 : memref<158x128xi32, #tpu.memory_space<hbm>>) target(%arg7 : memref<158x128xi32, #tpu.memory_space<vmem>>) target_semaphore(%run_scoped3A : memref<!tpu.dma_semaphore, #tpu.memory_space<semaphore_mem>>)
      %dma_wait3A = arith.constant 0 : i32
      %dma_wait3A_16 = arith.constant 0 : i32
      %dma_wait3A_17 = tpu.memref_slice %arg4[%arg1, %dma_wait3A, %dma_wait3A_16] : memref<16x158x128xi32, #tpu.memory_space<hbm>> -> memref<1x158x128xi32, #tpu.memory_space<hbm>>
      %dma_wait3A_18 = tpu.memref_squeeze %dma_wait3A_17 : memref<1x158x128xi32, #tpu.memory_space<hbm>> -> memref<158x128xi32, #tpu.memory_space<hbm>>
      %dma_wait3A_19 = arith.constant 0 : i32
      %dma_wait3A_20 = arith.constant 0 : i32
      %dma_wait3A_21 = tpu.memref_slice %arg4[%arg1, %dma_wait3A_19, %dma_wait3A_20] : memref<16x158x128xi32, #tpu.memory_space<hbm>> -> memref<1x158x128xi32, #tpu.memory_space<hbm>>
      %dma_wait3A_22 = tpu.memref_squeeze %dma_wait3A_21 : memref<1x158x128xi32, #tpu.memory_space<hbm>> -> memref<158x128xi32, #tpu.memory_space<hbm>>
      tpu.wait_dma2 semaphore(%run_scoped3A : memref<!tpu.dma_semaphore, #tpu.memory_space<semaphore_mem>>) src(%dma_wait3A_22 : memref<158x128xi32, #tpu.memory_space<hbm>>) dst(%arg7 : memref<158x128xi32, #tpu.memory_space<vmem>>)
      tpu.yield
    }) : () -> ()
    %barrier3A = arith.constant 0 : index
    tpu.barrier barrier_id(%barrier3A)
    %eq3A = arith.constant 0 : i32
    %eq3A_1 = arith.cmpi eq, %arg0, %eq3A : i32
    %convert_element_type3A = arith.extui %eq3A_1 : i1 to i32
    %cond3A = arith.constant 0 : i32
    %cond3A_2 = arith.cmpi ne, %convert_element_type3A, %cond3A : i32
    scf.if %cond3A_2 {
      %scan3A = arith.constant 0 : i32
      %scan3A_9 = arith.constant 0 : i32
      %scan3A_10 = arith.constant 158 : i32
      %scan3A_11 = arith.addi %scan3A_9, %scan3A_10 : i32
      %scan3A_12 = arith.constant 1 : i32
      scf.for %scan3A_14 = %scan3A_9 to %scan3A_11 step %scan3A_12  : i32 {
        %mul3A_15 = arith.constant 158 : i32
        %mul3A_16 = arith.muli %arg1, %mul3A_15 : i32
        %add3A = arith.addi %mul3A_16, %scan3A_14 : i32
        %mul3A_17 = arith.constant 128 : i32
        %mul3A_18 = arith.muli %add3A, %mul3A_17 : i32
        %multiple_of3A_19 = tpu.assume_multiple %mul3A_18, 128 : i32
        "tpu.region"() ({
          %run_scoped3A = tpu.sem_alloc : memref<!tpu.dma_semaphore, #tpu.memory_space<semaphore_mem>>
          %dma_start3A = arith.constant 0 : i32
          %dma_start3A_20 = tpu.memref_slice %arg2[%multiple_of3A_19, %dma_start3A] : memref<323584x128xf32, #tpu.memory_space<hbm>> -> memref<128x128xf32, #tpu.memory_space<hbm>>
          %dma_start3A_21 = arith.constant 0 : i32
          %dma_start3A_22 = tpu.memref_slice %arg2[%multiple_of3A_19, %dma_start3A_21] : memref<323584x128xf32, #tpu.memory_space<hbm>> -> memref<128x128xf32, #tpu.memory_space<hbm>>
          tpu.enqueue_dma source(%dma_start3A_22 : memref<128x128xf32, #tpu.memory_space<hbm>>) target(%arg8 : memref<128x128xf32, #tpu.memory_space<vmem>>) target_semaphore(%run_scoped3A : memref<!tpu.dma_semaphore, #tpu.memory_space<semaphore_mem>>)
          %dma_wait3A = arith.constant 0 : i32
          %dma_wait3A_23 = tpu.memref_slice %arg2[%multiple_of3A_19, %dma_wait3A] : memref<323584x128xf32, #tpu.memory_space<hbm>> -> memref<128x128xf32, #tpu.memory_space<hbm>>
          %dma_wait3A_24 = arith.constant 0 : i32
          %dma_wait3A_25 = tpu.memref_slice %arg2[%multiple_of3A_19, %dma_wait3A_24] : memref<323584x128xf32, #tpu.memory_space<hbm>> -> memref<128x128xf32, #tpu.memory_space<hbm>>
          tpu.wait_dma2 semaphore(%run_scoped3A : memref<!tpu.dma_semaphore, #tpu.memory_space<semaphore_mem>>) src(%dma_wait3A_25 : memref<128x128xf32, #tpu.memory_space<hbm>>) dst(%arg8 : memref<128x128xf32, #tpu.memory_space<vmem>>)
          tpu.yield
        }) : () -> ()
        "tpu.region"() ({
          %run_scoped3A = tpu.sem_alloc : memref<!tpu.dma_semaphore, #tpu.memory_space<semaphore_mem>>
          %dma_start3A = arith.constant 0 : i32
          %dma_start3A_20 = tpu.memref_slice %arg7[%scan3A_14, %dma_start3A] : memref<158x128xi32, #tpu.memory_space<vmem>> -> memref<1x128xi32, #tpu.memory_space<vmem>>
          %dma_start3A_21 = tpu.memref_squeeze %dma_start3A_20 : memref<1x128xi32, #tpu.memory_space<vmem>> -> memref<128xi32, #tpu.memory_space<vmem>>
          %dma_start3A_22 = arith.constant 0 : i32
          %dma_start3A_23 = arith.constant 0 : i32
          %dma_start3A_24 = tpu.memref_slice %arg9[%dma_start3A_22, %dma_start3A_23] : memref<10240x128xf32, #tpu.memory_space<vmem_shared>> -> memref<10240x128xf32, #tpu.memory_space<vmem_shared>>
          tpu.enqueue_indirect_dma source(%arg8 : memref<128x128xf32, #tpu.memory_space<vmem>>) target(%dma_start3A_24 : memref<10240x128xf32, #tpu.memory_space<vmem_shared>>) offsets(%dma_start3A_21 : memref<128xi32, #tpu.memory_space<vmem>>) semaphore(%run_scoped3A : memref<!tpu.dma_semaphore, #tpu.memory_space<semaphore_mem>>) {add = true}
          %dma_wait3A = arith.constant 0 : i32
          %dma_wait3A_25 = tpu.memref_slice %arg7[%scan3A_14, %dma_wait3A] : memref<158x128xi32, #tpu.memory_space<vmem>> -> memref<1x128xi32, #tpu.memory_space<vmem>>
          %dma_wait3A_26 = tpu.memref_squeeze %dma_wait3A_25 : memref<1x128xi32, #tpu.memory_space<vmem>> -> memref<128xi32, #tpu.memory_space<vmem>>
          %dma_wait3A_27 = arith.constant 0 : i32
          %dma_wait3A_28 = arith.constant 0 : i32
          %dma_wait3A_29 = tpu.memref_slice %arg9[%dma_wait3A_27, %dma_wait3A_28] : memref<10240x128xf32, #tpu.memory_space<vmem_shared>> -> memref<10240x128xf32, #tpu.memory_space<vmem_shared>>
          tpu.wait_indirect_dma semaphore(%run_scoped3A : memref<!tpu.dma_semaphore, #tpu.memory_space<semaphore_mem>>) src(%arg8 : memref<128x128xf32, #tpu.memory_space<vmem>>) dst(%dma_wait3A_29 : memref<10240x128xf32, #tpu.memory_space<vmem_shared>>)
          tpu.yield
        }) : () -> ()
      }
      %scan3A_13 = arith.constant 158 : i32
    } else {
    }
    %eq3A_3 = arith.constant 1 : i32
    %eq3A_4 = arith.cmpi eq, %arg0, %eq3A_3 : i32
    %convert_element_type3A_5 = arith.extui %eq3A_4 : i1 to i32
    %cond3A_6 = arith.constant 0 : i32
    %cond3A_7 = arith.cmpi ne, %convert_element_type3A_5, %cond3A_6 : i32
    scf.if %cond3A_7 {
      %scan3A = arith.constant 0 : i32
      %scan3A_9 = arith.constant 0 : i32
      %scan3A_10 = arith.constant 158 : i32
      %scan3A_11 = arith.addi %scan3A_9, %scan3A_10 : i32
      %scan3A_12 = arith.constant 1 : i32
      scf.for %scan3A_14 = %scan3A_9 to %scan3A_11 step %scan3A_12  : i32 {
        %mul3A_15 = arith.constant 158 : i32
        %mul3A_16 = arith.muli %arg1, %mul3A_15 : i32
        %add3A = arith.addi %mul3A_16, %scan3A_14 : i32
        %mul3A_17 = arith.constant 128 : i32
        %mul3A_18 = arith.muli %add3A, %mul3A_17 : i32
        %multiple_of3A_19 = tpu.assume_multiple %mul3A_18, 128 : i32
        "tpu.region"() ({
          %run_scoped3A = tpu.sem_alloc : memref<!tpu.dma_semaphore, #tpu.memory_space<semaphore_mem>>
          %dma_start3A = arith.constant 0 : i32
          %dma_start3A_20 = tpu.memref_slice %arg3[%multiple_of3A_19, %dma_start3A] : memref<323584x128xf32, #tpu.memory_space<hbm>> -> memref<128x128xf32, #tpu.memory_space<hbm>>
          %dma_start3A_21 = arith.constant 0 : i32
          %dma_start3A_22 = tpu.memref_slice %arg3[%multiple_of3A_19, %dma_start3A_21] : memref<323584x128xf32, #tpu.memory_space<hbm>> -> memref<128x128xf32, #tpu.memory_space<hbm>>
          tpu.enqueue_dma source(%dma_start3A_22 : memref<128x128xf32, #tpu.memory_space<hbm>>) target(%arg8 : memref<128x128xf32, #tpu.memory_space<vmem>>) target_semaphore(%run_scoped3A : memref<!tpu.dma_semaphore, #tpu.memory_space<semaphore_mem>>)
          %dma_wait3A = arith.constant 0 : i32
          %dma_wait3A_23 = tpu.memref_slice %arg3[%multiple_of3A_19, %dma_wait3A] : memref<323584x128xf32, #tpu.memory_space<hbm>> -> memref<128x128xf32, #tpu.memory_space<hbm>>
          %dma_wait3A_24 = arith.constant 0 : i32
          %dma_wait3A_25 = tpu.memref_slice %arg3[%multiple_of3A_19, %dma_wait3A_24] : memref<323584x128xf32, #tpu.memory_space<hbm>> -> memref<128x128xf32, #tpu.memory_space<hbm>>
          tpu.wait_dma2 semaphore(%run_scoped3A : memref<!tpu.dma_semaphore, #tpu.memory_space<semaphore_mem>>) src(%dma_wait3A_25 : memref<128x128xf32, #tpu.memory_space<hbm>>) dst(%arg8 : memref<128x128xf32, #tpu.memory_space<vmem>>)
          tpu.yield
        }) : () -> ()
        "tpu.region"() ({
          %run_scoped3A = tpu.sem_alloc : memref<!tpu.dma_semaphore, #tpu.memory_space<semaphore_mem>>
          %dma_start3A = arith.constant 0 : i32
          %dma_start3A_20 = tpu.memref_slice %arg7[%scan3A_14, %dma_start3A] : memref<158x128xi32, #tpu.memory_space<vmem>> -> memref<1x128xi32, #tpu.memory_space<vmem>>
          %dma_start3A_21 = tpu.memref_squeeze %dma_start3A_20 : memref<1x128xi32, #tpu.memory_space<vmem>> -> memref<128xi32, #tpu.memory_space<vmem>>
          %dma_start3A_22 = arith.constant 0 : i32
          %dma_start3A_23 = arith.constant 0 : i32
          %dma_start3A_24 = tpu.memref_slice %arg9[%dma_start3A_22, %dma_start3A_23] : memref<10240x128xf32, #tpu.memory_space<vmem_shared>> -> memref<10240x128xf32, #tpu.memory_space<vmem_shared>>
          tpu.enqueue_indirect_dma source(%arg8 : memref<128x128xf32, #tpu.memory_space<vmem>>) target(%dma_start3A_24 : memref<10240x128xf32, #tpu.memory_space<vmem_shared>>) offsets(%dma_start3A_21 : memref<128xi32, #tpu.memory_space<vmem>>) semaphore(%run_scoped3A : memref<!tpu.dma_semaphore, #tpu.memory_space<semaphore_mem>>) {add = true}
          %dma_wait3A = arith.constant 0 : i32
          %dma_wait3A_25 = tpu.memref_slice %arg7[%scan3A_14, %dma_wait3A] : memref<158x128xi32, #tpu.memory_space<vmem>> -> memref<1x128xi32, #tpu.memory_space<vmem>>
          %dma_wait3A_26 = tpu.memref_squeeze %dma_wait3A_25 : memref<1x128xi32, #tpu.memory_space<vmem>> -> memref<128xi32, #tpu.memory_space<vmem>>
          %dma_wait3A_27 = arith.constant 0 : i32
          %dma_wait3A_28 = arith.constant 0 : i32
          %dma_wait3A_29 = tpu.memref_slice %arg9[%dma_wait3A_27, %dma_wait3A_28] : memref<10240x128xf32, #tpu.memory_space<vmem_shared>> -> memref<10240x128xf32, #tpu.memory_space<vmem_shared>>
          tpu.wait_indirect_dma semaphore(%run_scoped3A : memref<!tpu.dma_semaphore, #tpu.memory_space<semaphore_mem>>) src(%arg8 : memref<128x128xf32, #tpu.memory_space<vmem>>) dst(%dma_wait3A_29 : memref<10240x128xf32, #tpu.memory_space<vmem_shared>>)
          tpu.yield
        }) : () -> ()
      }
      %scan3A_13 = arith.constant 158 : i32
    } else {
    }
    %barrier3A_8 = arith.constant 0 : index
    tpu.barrier barrier_id(%barrier3A_8)
    "tpu.region"() ({
      %run_scoped3A = tpu.sem_alloc : memref<!tpu.dma_semaphore, #tpu.memory_space<semaphore_mem>>
      %dma_start3A = arith.constant 0 : i32
      %dma_start3A_9 = tpu.memref_slice %arg6[%arg0, %multiple_of3A, %dma_start3A] : memref<2x10240x128xf32, #tpu.memory_space<hbm>> -> memref<1x640x128xf32, #tpu.memory_space<hbm>>
      %dma_start3A_10 = tpu.memref_squeeze %dma_start3A_9 : memref<1x640x128xf32, #tpu.memory_space<hbm>> -> memref<640x128xf32, #tpu.memory_space<hbm>>
      %dma_start3A_11 = arith.constant 0 : i32
      %dma_start3A_12 = tpu.memref_slice %arg9[%multiple_of3A, %dma_start3A_11] : memref<10240x128xf32, #tpu.memory_space<vmem_shared>> -> memref<640x128xf32, #tpu.memory_space<vmem_shared>>
      tpu.enqueue_dma source(%dma_start3A_12 : memref<640x128xf32, #tpu.memory_space<vmem_shared>>) target(%dma_start3A_10 : memref<640x128xf32, #tpu.memory_space<hbm>>) target_semaphore(%run_scoped3A : memref<!tpu.dma_semaphore, #tpu.memory_space<semaphore_mem>>)
      %dma_wait3A = arith.constant 0 : i32
      %dma_wait3A_13 = tpu.memref_slice %arg6[%arg0, %multiple_of3A, %dma_wait3A] : memref<2x10240x128xf32, #tpu.memory_space<hbm>> -> memref<1x640x128xf32, #tpu.memory_space<hbm>>
      %dma_wait3A_14 = tpu.memref_squeeze %dma_wait3A_13 : memref<1x640x128xf32, #tpu.memory_space<hbm>> -> memref<640x128xf32, #tpu.memory_space<hbm>>
      %dma_wait3A_15 = arith.constant 0 : i32
      %dma_wait3A_16 = tpu.memref_slice %arg9[%multiple_of3A, %dma_wait3A_15] : memref<10240x128xf32, #tpu.memory_space<vmem_shared>> -> memref<640x128xf32, #tpu.memory_space<vmem_shared>>
      tpu.wait_dma2 semaphore(%run_scoped3A : memref<!tpu.dma_semaphore, #tpu.memory_space<semaphore_mem>>) src(%dma_wait3A_16 : memref<640x128xf32, #tpu.memory_space<vmem_shared>>) dst(%dma_wait3A_14 : memref<640x128xf32, #tpu.memory_space<hbm>>)
      tpu.yield
    }) : () -> ()
    return
  }
}

module attributes {stable_mosaic.version = 14 : i64} {
  func.func @_enc_body(%arg0: i32, %arg1: memref<2048x128xf32, #tpu.memory_space<vmem>>, %arg2: memref<2048x128xf32, #tpu.memory_space<vmem>>, %arg3: memref<1x1xf32, #tpu.memory_space<vmem>>, %arg4: memref<128x256xf32, #tpu.memory_space<vmem>>, %arg5: memref<1x256xf32, #tpu.memory_space<vmem>>, %arg6: memref<256x128xf32, #tpu.memory_space<vmem>>, %arg7: memref<1x128xf32, #tpu.memory_space<vmem>>, %arg8: memref<128x128xf32, #tpu.memory_space<vmem>>, %arg9: memref<1x128xf32, #tpu.memory_space<vmem>>, %arg10: memref<2048x256xf32, #tpu.memory_space<vmem>>) attributes {dimension_semantics = [#tpu.dimension_semantics<arbitrary>], iteration_bounds = array<i64: 5>, scalar_prefetch = 0 : i64, scratch_operands = 0 : i64, tpu.core_type = #tpu.core_type<tc>, window_params = [{transform_indices = @transform_0, window_bounds = array<i64: 2048, 128>}, {transform_indices = @transform_1, window_bounds = array<i64: 2048, 128>}, {pipeline_mode = #tpu.pipeline_mode<synchronous>, transform_indices = @transform_2, window_bounds = array<i64: 1, 1>}, {pipeline_mode = #tpu.pipeline_mode<synchronous>, transform_indices = @transform_3, window_bounds = array<i64: 128, 256>}, {pipeline_mode = #tpu.pipeline_mode<synchronous>, transform_indices = @transform_4, window_bounds = array<i64: 1, 256>}, {pipeline_mode = #tpu.pipeline_mode<synchronous>, transform_indices = @transform_5, window_bounds = array<i64: 256, 128>}, {pipeline_mode = #tpu.pipeline_mode<synchronous>, transform_indices = @transform_6, window_bounds = array<i64: 1, 128>}, {pipeline_mode = #tpu.pipeline_mode<synchronous>, transform_indices = @transform_7, window_bounds = array<i64: 128, 128>}, {pipeline_mode = #tpu.pipeline_mode<synchronous>, transform_indices = @transform_8, window_bounds = array<i64: 1, 128>}, {transform_indices = @transform_9, window_bounds = array<i64: 2048, 256>}]} {
    %get3A = arith.constant 0 : index
    %get3A_0 = arith.constant 0 : index
    %get3A_1 = vector.load %arg1[%get3A, %get3A_0] : memref<2048x128xf32, #tpu.memory_space<vmem>>, vector<2048x128xf32>
    %get3A_2 = arith.constant 0 : index
    %get3A_3 = arith.constant 0 : index
    %get3A_4 = vector.load %arg4[%get3A_2, %get3A_3] : memref<128x256xf32, #tpu.memory_space<vmem>>, vector<128x256xf32>
    %dot_general3A = arith.constant dense<0.000000e+00> : vector<2048x256xf32>
    %dot_general3A_5 = tpu.matmul %get3A_1, %get3A_4, %dot_general3A {dimension_numbers = #tpu.dot_dimension_numbers<[1], [0], [0], [1], [0, 0, 1, 1], [], []>, transpose_lhs_hint = false} : vector<2048x128xf32>, vector<128x256xf32>, vector<2048x256xf32> -> vector<2048x256xf32>
    %get3A_6 = arith.constant 0 : index
    %get3A_7 = arith.constant 0 : index
    %get3A_8 = vector.load %arg5[%get3A_6, %get3A_7] : memref<1x256xf32, #tpu.memory_space<vmem>>, vector<1x256xf32>
    %add3A = vector.broadcast %get3A_8 : vector<1x256xf32> to vector<2048x256xf32>
    %add3A_9 = arith.addf %dot_general3A_5, %add3A : vector<2048x256xf32>
    %logistic3A = arith.negf %add3A_9 : vector<2048x256xf32>
    %logistic3A_10 = math.exp %logistic3A : vector<2048x256xf32>
    %logistic3A_11 = arith.constant 1.000000e+00 : f32
    %logistic3A_12 = vector.broadcast %logistic3A_11 : f32 to vector<2048x256xf32>
    %logistic3A_13 = arith.addf %logistic3A_12, %logistic3A_10 : vector<2048x256xf32>
    %logistic3A_14 = arith.divf %logistic3A_12, %logistic3A_13 : vector<2048x256xf32>
    %mul3A = arith.mulf %add3A_9, %logistic3A_14 : vector<2048x256xf32>
    %get3A_15 = arith.constant 0 : index
    %get3A_16 = arith.constant 0 : index
    %get3A_17 = vector.load %arg6[%get3A_15, %get3A_16] : memref<256x128xf32, #tpu.memory_space<vmem>>, vector<256x128xf32>
    %dot_general3A_18 = arith.constant dense<0.000000e+00> : vector<2048x128xf32>
    %dot_general3A_19 = tpu.matmul %mul3A, %get3A_17, %dot_general3A_18 {dimension_numbers = #tpu.dot_dimension_numbers<[1], [0], [0], [1], [0, 0, 1, 1], [], []>, transpose_lhs_hint = false} : vector<2048x256xf32>, vector<256x128xf32>, vector<2048x128xf32> -> vector<2048x128xf32>
    %get3A_20 = arith.constant 0 : index
    %get3A_21 = arith.constant 0 : index
    %get3A_22 = vector.load %arg7[%get3A_20, %get3A_21] : memref<1x128xf32, #tpu.memory_space<vmem>>, vector<1x128xf32>
    %add3A_23 = vector.broadcast %get3A_22 : vector<1x128xf32> to vector<2048x128xf32>
    %add3A_24 = arith.addf %dot_general3A_19, %add3A_23 : vector<2048x128xf32>
    %iota3A = tpu.iota {dimensions = array<i32: 1>} : vector<2048x128xi32>
    %eq3A = arith.constant 127 : i32
    %eq3A_25 = vector.broadcast %eq3A : i32 to vector<2048x128xi32>
    %eq3A_26 = arith.cmpi eq, %iota3A, %eq3A_25 : vector<2048x128xi32>
    %get3A_27 = arith.constant 0 : index
    %get3A_28 = arith.constant 0 : index
    %get3A_29 = vector.load %arg3[%get3A_27, %get3A_28] : memref<1x1xf32, #tpu.memory_space<vmem>>, vector<1x1xf32>
    %get3A_30 = vector.extract %get3A_29[0, 0] : f32 from vector<1x1xf32>
    %broadcast_in_dim3A = vector.broadcast %get3A_30 : f32 to vector<2048x128xf32>
    %select_n3A = arith.select %eq3A_26, %broadcast_in_dim3A, %add3A_24 : vector<2048x128xi1>, vector<2048x128xf32>
    %get3A_31 = arith.constant 0 : index
    %get3A_32 = arith.constant 0 : index
    %get3A_33 = vector.load %arg8[%get3A_31, %get3A_32] : memref<128x128xf32, #tpu.memory_space<vmem>>, vector<128x128xf32>
    %dot_general3A_34 = arith.constant dense<0.000000e+00> : vector<2048x128xf32>
    %dot_general3A_35 = tpu.matmul %select_n3A, %get3A_33, %dot_general3A_34 {dimension_numbers = #tpu.dot_dimension_numbers<[1], [0], [0], [1], [0, 0, 1, 1], [], []>, transpose_lhs_hint = false} : vector<2048x128xf32>, vector<128x128xf32>, vector<2048x128xf32> -> vector<2048x128xf32>
    %get3A_36 = arith.constant 0 : index
    %get3A_37 = arith.constant 0 : index
    %get3A_38 = vector.load %arg9[%get3A_36, %get3A_37] : memref<1x128xf32, #tpu.memory_space<vmem>>, vector<1x128xf32>
    %add3A_39 = vector.broadcast %get3A_38 : vector<1x128xf32> to vector<2048x128xf32>
    %add3A_40 = arith.addf %dot_general3A_35, %add3A_39 : vector<2048x128xf32>
    %get3A_41 = arith.constant 0 : index
    %get3A_42 = arith.constant 0 : index
    %get3A_43 = vector.load %arg2[%get3A_41, %get3A_42] : memref<2048x128xf32, #tpu.memory_space<vmem>>, vector<2048x128xf32>
    %concatenate3A = tpu.concatenate %add3A_40, %get3A_43 in 1 : vector<2048x128xf32>, vector<2048x128xf32> -> vector<2048x256xf32>
    %swap3A = arith.constant 0 : index
    %swap3A_44 = arith.constant 0 : index
    %swap3A_45 = vector.load %arg10[%swap3A, %swap3A_44] : memref<2048x256xf32, #tpu.memory_space<vmem>>, vector<2048x256xf32>
    tpu.vector_store %arg10[%swap3A, %swap3A_44], %concatenate3A {strides = array<i32>} : memref<2048x256xf32, #tpu.memory_space<vmem>>, vector<2048x256xf32>,
    return
  }
  func.func @transform_0(%arg0: i32) -> (i32, i32) {
    %c0_i32 = arith.constant 0 : i32
    %c0_i32_0 = arith.constant 0 : i32
    return %arg0, %c0_i32 : i32, i32
  }
  func.func @transform_1(%arg0: i32) -> (i32, i32) {
    %c0_i32 = arith.constant 0 : i32
    %c0_i32_0 = arith.constant 0 : i32
    return %arg0, %c0_i32 : i32, i32
  }
  func.func @transform_2(%arg0: i32) -> (i32, i32) {
    %c0_i32 = arith.constant 0 : i32
    %c0_i32_0 = arith.constant 0 : i32
    %c0_i32_1 = arith.constant 0 : i32
    return %c0_i32, %c0_i32_0 : i32, i32
  }
  func.func @transform_3(%arg0: i32) -> (i32, i32) {
    %c0_i32 = arith.constant 0 : i32
    %c0_i32_0 = arith.constant 0 : i32
    %c0_i32_1 = arith.constant 0 : i32
    return %c0_i32, %c0_i32_0 : i32, i32
  }
  func.func @transform_4(%arg0: i32) -> (i32, i32) {
    %c0_i32 = arith.constant 0 : i32
    %c0_i32_0 = arith.constant 0 : i32
    %c0_i32_1 = arith.constant 0 : i32
    return %c0_i32, %c0_i32_0 : i32, i32
  }
  func.func @transform_5(%arg0: i32) -> (i32, i32) {
    %c0_i32 = arith.constant 0 : i32
    %c0_i32_0 = arith.constant 0 : i32
    %c0_i32_1 = arith.constant 0 : i32
    return %c0_i32, %c0_i32_0 : i32, i32
  }
  func.func @transform_6(%arg0: i32) -> (i32, i32) {
    %c0_i32 = arith.constant 0 : i32
    %c0_i32_0 = arith.constant 0 : i32
    %c0_i32_1 = arith.constant 0 : i32
    return %c0_i32, %c0_i32_0 : i32, i32
  }
  func.func @transform_7(%arg0: i32) -> (i32, i32) {
    %c0_i32 = arith.constant 0 : i32
    %c0_i32_0 = arith.constant 0 : i32
    %c0_i32_1 = arith.constant 0 : i32
    return %c0_i32, %c0_i32_0 : i32, i32
  }
  func.func @transform_8(%arg0: i32) -> (i32, i32) {
    %c0_i32 = arith.constant 0 : i32
    %c0_i32_0 = arith.constant 0 : i32
    %c0_i32_1 = arith.constant 0 : i32
    return %c0_i32, %c0_i32_0 : i32, i32
  }
  func.func @transform_9(%arg0: i32) -> (i32, i32) {
    %c0_i32 = arith.constant 0 : i32
    %c0_i32_0 = arith.constant 0 : i32
    return %arg0, %c0_i32 : i32, i32
  }
}

module attributes {stable_mosaic.version = 14 : i64} {
  func.func @_edge_body_l0(%arg0: i32, %arg1: memref<2048x256xf32, #tpu.memory_space<vmem>>, %arg2: memref<2048x256xf32, #tpu.memory_space<vmem>>, %arg3: memref<2048x16xf32, #tpu.memory_space<vmem>>, %arg4: memref<16x32xf32, #tpu.memory_space<vmem>>, %arg5: memref<1x32xf32, #tpu.memory_space<vmem>>, %arg6: memref<32x16xf32, #tpu.memory_space<vmem>>, %arg7: memref<1x16xf32, #tpu.memory_space<vmem>>, %arg8: memref<128x128xf32, #tpu.memory_space<vmem>>, %arg9: memref<128x128xf32, #tpu.memory_space<vmem>>, %arg10: memref<1x128xf32, #tpu.memory_space<vmem>>, %arg11: memref<16x128xf32, #tpu.memory_space<vmem>>, %arg12: memref<1x128xf32, #tpu.memory_space<vmem>>, %arg13: memref<128x128xf32, #tpu.memory_space<vmem>>, %arg14: memref<1x128xf32, #tpu.memory_space<vmem>>, %arg15: memref<128x1xf32, #tpu.memory_space<vmem>>, %arg16: memref<1x1xf32, #tpu.memory_space<vmem>>, %arg17: memref<2048x128xf32, #tpu.memory_space<vmem>>, %arg18: memref<2048x128xf32, #tpu.memory_space<vmem>>, %arg19: memref<2048x16xf32, #tpu.memory_space<vmem>>) attributes {dimension_semantics = [#tpu.dimension_semantics<arbitrary>], iteration_bounds = array<i64: 158>, scalar_prefetch = 0 : i64, scratch_operands = 0 : i64, tpu.core_type = #tpu.core_type<tc>, window_params = [{transform_indices = @transform_0, window_bounds = array<i64: 2048, 256>}, {transform_indices = @transform_1, window_bounds = array<i64: 2048, 256>}, {transform_indices = @transform_2, window_bounds = array<i64: 2048, 16>}, {pipeline_mode = #tpu.pipeline_mode<synchronous>, transform_indices = @transform_3, window_bounds = array<i64: 16, 32>}, {pipeline_mode = #tpu.pipeline_mode<synchronous>, transform_indices = @transform_4, window_bounds = array<i64: 1, 32>}, {pipeline_mode = #tpu.pipeline_mode<synchronous>, transform_indices = @transform_5, window_bounds = array<i64: 32, 16>}, {pipeline_mode = #tpu.pipeline_mode<synchronous>, transform_indices = @transform_6, window_bounds = array<i64: 1, 16>}, {pipeline_mode = #tpu.pipeline_mode<synchronous>, transform_indices = @transform_7, window_bounds = array<i64: 128, 128>}, {pipeline_mode = #tpu.pipeline_mode<synchronous>, transform_indices = @transform_8, window_bounds = array<i64: 128, 128>}, {pipeline_mode = #tpu.pipeline_mode<synchronous>, transform_indices = @transform_9, window_bounds = array<i64: 1, 128>}, {pipeline_mode = #tpu.pipeline_mode<synchronous>, transform_indices = @transform_10, window_bounds = array<i64: 16, 128>}, {pipeline_mode = #tpu.pipeline_mode<synchronous>, transform_indices = @transform_11, window_bounds = array<i64: 1, 128>}, {pipeline_mode = #tpu.pipeline_mode<synchronous>, transform_indices = @transform_12, window_bounds = array<i64: 128, 128>}, {pipeline_mode = #tpu.pipeline_mode<synchronous>, transform_indices = @transform_13, window_bounds = array<i64: 1, 128>}, {pipeline_mode = #tpu.pipeline_mode<synchronous>, transform_indices = @transform_14, window_bounds = array<i64: 128, 1>}, {pipeline_mode = #tpu.pipeline_mode<synchronous>, transform_indices = @transform_15, window_bounds = array<i64: 1, 1>}, {transform_indices = @transform_16, window_bounds = array<i64: 2048, 128>}, {transform_indices = @transform_17, window_bounds = array<i64: 2048, 128>}, {transform_indices = @transform_18, window_bounds = array<i64: 2048, 16>}]} {
    %get3A = arith.constant 0 : index
    %get3A_0 = arith.constant 0 : index
    %get3A_1 = vector.load %arg3[%get3A, %get3A_0] : memref<2048x16xf32, #tpu.memory_space<vmem>>, vector<2048x16xf32>
    %get3A_2 = arith.constant 0 : index
    %get3A_3 = arith.constant 0 : index
    %get3A_4 = vector.load %arg4[%get3A_2, %get3A_3] : memref<16x32xf32, #tpu.memory_space<vmem>>, vector<16x32xf32>
    %dot_general3A = arith.constant dense<0.000000e+00> : vector<2048x32xf32>
    %dot_general3A_5 = tpu.matmul %get3A_1, %get3A_4, %dot_general3A {dimension_numbers = #tpu.dot_dimension_numbers<[1], [0], [0], [1], [0, 0, 1, 1], [], []>, transpose_lhs_hint = false} : vector<2048x16xf32>, vector<16x32xf32>, vector<2048x32xf32> -> vector<2048x32xf32>
    %get3A_6 = arith.constant 0 : index
    %get3A_7 = arith.constant 0 : index
    %get3A_8 = vector.load %arg5[%get3A_6, %get3A_7] : memref<1x32xf32, #tpu.memory_space<vmem>>, vector<1x32xf32>
    %add3A = vector.broadcast %get3A_8 : vector<1x32xf32> to vector<2048x32xf32>
    %add3A_9 = arith.addf %dot_general3A_5, %add3A : vector<2048x32xf32>
    %logistic3A = arith.negf %add3A_9 : vector<2048x32xf32>
    %logistic3A_10 = math.exp %logistic3A : vector<2048x32xf32>
    %logistic3A_11 = arith.constant 1.000000e+00 : f32
    %logistic3A_12 = vector.broadcast %logistic3A_11 : f32 to vector<2048x32xf32>
    %logistic3A_13 = arith.addf %logistic3A_12, %logistic3A_10 : vector<2048x32xf32>
    %logistic3A_14 = arith.divf %logistic3A_12, %logistic3A_13 : vector<2048x32xf32>
    %mul3A = arith.mulf %add3A_9, %logistic3A_14 : vector<2048x32xf32>
    %get3A_15 = arith.constant 0 : index
    %get3A_16 = arith.constant 0 : index
    %get3A_17 = vector.load %arg6[%get3A_15, %get3A_16] : memref<32x16xf32, #tpu.memory_space<vmem>>, vector<32x16xf32>
    %dot_general3A_18 = arith.constant dense<0.000000e+00> : vector<2048x16xf32>
    %dot_general3A_19 = tpu.matmul %mul3A, %get3A_17, %dot_general3A_18 {dimension_numbers = #tpu.dot_dimension_numbers<[1], [0], [0], [1], [0, 0, 1, 1], [], []>, transpose_lhs_hint = false} : vector<2048x32xf32>, vector<32x16xf32>, vector<2048x16xf32> -> vector<2048x16xf32>
    %get3A_20 = arith.constant 0 : index
    %get3A_21 = arith.constant 0 : index
    %get3A_22 = vector.load %arg7[%get3A_20, %get3A_21] : memref<1x16xf32, #tpu.memory_space<vmem>>, vector<1x16xf32>
    %add3A_23 = vector.broadcast %get3A_22 : vector<1x16xf32> to vector<2048x16xf32>
    %add3A_24 = arith.addf %dot_general3A_19, %add3A_23 : vector<2048x16xf32>
    %swap3A = arith.constant 0 : index
    %swap3A_25 = arith.constant 0 : index
    %swap3A_26 = vector.load %arg19[%swap3A, %swap3A_25] : memref<2048x16xf32, #tpu.memory_space<vmem>>, vector<2048x16xf32>
    tpu.vector_store %arg19[%swap3A, %swap3A_25], %add3A_24 {strides = array<i32>} : memref<2048x16xf32, #tpu.memory_space<vmem>>, vector<2048x16xf32>,
    %get3A_27 = arith.constant 0 : index
    %get3A_28 = arith.constant 0 : index
    %get3A_29 = vector.load %arg1[%get3A_27, %get3A_28] : memref<2048x256xf32, #tpu.memory_space<vmem>>, vector<2048x256xf32>
    %get3A_30 = arith.constant 0 : index
    %get3A_31 = arith.constant 0 : index
    %get3A_32 = vector.load %arg2[%get3A_30, %get3A_31] : memref<2048x256xf32, #tpu.memory_space<vmem>>, vector<2048x256xf32>
    %slice3A = vector.extract_strided_slice %get3A_29 {offsets = [0, 0], sizes = [2048, 128], strides = [1, 1]} : vector<2048x256xf32> to vector<2048x128xf32>
    %slice3A_33 = vector.extract_strided_slice %get3A_32 {offsets = [0, 0], sizes = [2048, 128], strides = [1, 1]} : vector<2048x256xf32> to vector<2048x128xf32>
    %slice3A_34 = vector.extract_strided_slice %get3A_29 {offsets = [0, 128], sizes = [2048, 3], strides = [1, 1]} : vector<2048x256xf32> to vector<2048x3xf32>
    %slice3A_35 = vector.extract_strided_slice %get3A_32 {offsets = [0, 128], sizes = [2048, 3], strides = [1, 1]} : vector<2048x256xf32> to vector<2048x3xf32>
    %sub3A = arith.subf %slice3A_34, %slice3A_35 : vector<2048x3xf32>
    %mul3A_36 = arith.mulf %sub3A, %sub3A : vector<2048x3xf32>
    %reduce_sum3A = arith.constant dense<0.000000e+00> : vector<2048xf32>
    %reduce_sum3A_37 = vector.multi_reduction <add>, %mul3A_36, %reduce_sum3A [1] : vector<2048x3xf32> to vector<2048xf32>
    %broadcast_in_dim3A = vector.shape_cast %reduce_sum3A_37 : vector<2048xf32> to vector<2048x1xf32>
    %get3A_38 = arith.constant 0 : index
    %get3A_39 = arith.constant 0 : index
    %get3A_40 = vector.load %arg8[%get3A_38, %get3A_39] : memref<128x128xf32, #tpu.memory_space<vmem>>, vector<128x128xf32>
    %dot_general3A_41 = arith.constant dense<0.000000e+00> : vector<2048x128xf32>
    %dot_general3A_42 = tpu.matmul %slice3A, %get3A_40, %dot_general3A_41 {dimension_numbers = #tpu.dot_dimension_numbers<[1], [0], [0], [1], [0, 0, 1, 1], [], []>, transpose_lhs_hint = false} : vector<2048x128xf32>, vector<128x128xf32>, vector<2048x128xf32> -> vector<2048x128xf32>
    %get3A_43 = arith.constant 0 : index
    %get3A_44 = arith.constant 0 : index
    %get3A_45 = vector.load %arg9[%get3A_43, %get3A_44] : memref<128x128xf32, #tpu.memory_space<vmem>>, vector<128x128xf32>
    %dot_general3A_46 = arith.constant dense<0.000000e+00> : vector<2048x128xf32>
    %dot_general3A_47 = tpu.matmul %slice3A_33, %get3A_45, %dot_general3A_46 {dimension_numbers = #tpu.dot_dimension_numbers<[1], [0], [0], [1], [0, 0, 1, 1], [], []>, transpose_lhs_hint = false} : vector<2048x128xf32>, vector<128x128xf32>, vector<2048x128xf32> -> vector<2048x128xf32>
    %add3A_48 = arith.addf %dot_general3A_42, %dot_general3A_47 : vector<2048x128xf32>
    %get3A_49 = arith.constant 0 : index
    %get3A_50 = arith.constant 0 : index
    %get3A_51 = vector.load %arg10[%get3A_49, %get3A_50] : memref<1x128xf32, #tpu.memory_space<vmem>>, vector<1x128xf32>
    %mul3A_52 = vector.broadcast %broadcast_in_dim3A : vector<2048x1xf32> to vector<2048x128xf32>
    %mul3A_53 = vector.broadcast %get3A_51 : vector<1x128xf32> to vector<2048x128xf32>
    %mul3A_54 = arith.mulf %mul3A_52, %mul3A_53 : vector<2048x128xf32>
    %add3A_55 = arith.addf %add3A_48, %mul3A_54 : vector<2048x128xf32>
    %get3A_56 = arith.constant 0 : index
    %get3A_57 = arith.constant 0 : index
    %get3A_58 = vector.load %arg11[%get3A_56, %get3A_57] : memref<16x128xf32, #tpu.memory_space<vmem>>, vector<16x128xf32>
    %dot_general3A_59 = arith.constant dense<0.000000e+00> : vector<2048x128xf32>
    %dot_general3A_60 = tpu.matmul %add3A_24, %get3A_58, %dot_general3A_59 {dimension_numbers = #tpu.dot_dimension_numbers<[1], [0], [0], [1], [0, 0, 1, 1], [], []>, transpose_lhs_hint = false} : vector<2048x16xf32>, vector<16x128xf32>, vector<2048x128xf32> -> vector<2048x128xf32>
    %add3A_61 = arith.addf %add3A_55, %dot_general3A_60 : vector<2048x128xf32>
    %get3A_62 = arith.constant 0 : index
    %get3A_63 = arith.constant 0 : index
    %get3A_64 = vector.load %arg12[%get3A_62, %get3A_63] : memref<1x128xf32, #tpu.memory_space<vmem>>, vector<1x128xf32>
    %add3A_65 = vector.broadcast %get3A_64 : vector<1x128xf32> to vector<2048x128xf32>
    %add3A_66 = arith.addf %add3A_61, %add3A_65 : vector<2048x128xf32>
    %logistic3A_67 = arith.negf %add3A_66 : vector<2048x128xf32>
    %logistic3A_68 = math.exp %logistic3A_67 : vector<2048x128xf32>
    %logistic3A_69 = arith.constant 1.000000e+00 : f32
    %logistic3A_70 = vector.broadcast %logistic3A_69 : f32 to vector<2048x128xf32>
    %logistic3A_71 = arith.addf %logistic3A_70, %logistic3A_68 : vector<2048x128xf32>
    %logistic3A_72 = arith.divf %logistic3A_70, %logistic3A_71 : vector<2048x128xf32>
    %mul3A_73 = arith.mulf %add3A_66, %logistic3A_72 : vector<2048x128xf32>
    %get3A_74 = arith.constant 0 : index
    %get3A_75 = arith.constant 0 : index
    %get3A_76 = vector.load %arg13[%get3A_74, %get3A_75] : memref<128x128xf32, #tpu.memory_space<vmem>>, vector<128x128xf32>
    %dot_general3A_77 = arith.constant dense<0.000000e+00> : vector<2048x128xf32>
    %dot_general3A_78 = tpu.matmul %mul3A_73, %get3A_76, %dot_general3A_77 {dimension_numbers = #tpu.dot_dimension_numbers<[1], [0], [0], [1], [0, 0, 1, 1], [], []>, transpose_lhs_hint = false} : vector<2048x128xf32>, vector<128x128xf32>, vector<2048x128xf32> -> vector<2048x128xf32>
    %get3A_79 = arith.constant 0 : index
    %get3A_80 = arith.constant 0 : index
    %get3A_81 = vector.load %arg14[%get3A_79, %get3A_80] : memref<1x128xf32, #tpu.memory_space<vmem>>, vector<1x128xf32>
    %add3A_82 = vector.broadcast %get3A_81 : vector<1x128xf32> to vector<2048x128xf32>
    %add3A_83 = arith.addf %dot_general3A_78, %add3A_82 : vector<2048x128xf32>
    %logistic3A_84 = arith.negf %add3A_83 : vector<2048x128xf32>
    %logistic3A_85 = math.exp %logistic3A_84 : vector<2048x128xf32>
    %logistic3A_86 = arith.constant 1.000000e+00 : f32
    %logistic3A_87 = vector.broadcast %logistic3A_86 : f32 to vector<2048x128xf32>
    %logistic3A_88 = arith.addf %logistic3A_87, %logistic3A_85 : vector<2048x128xf32>
    %logistic3A_89 = arith.divf %logistic3A_87, %logistic3A_88 : vector<2048x128xf32>
    %mul3A_90 = arith.mulf %add3A_83, %logistic3A_89 : vector<2048x128xf32>
    %get3A_91 = arith.constant 0 : index
    %get3A_92 = arith.constant 0 : index
    %get3A_93 = vector.load %arg15[%get3A_91, %get3A_92] : memref<128x1xf32, #tpu.memory_space<vmem>>, vector<128x1xf32>
    %dot_general3A_94 = arith.constant dense<0.000000e+00> : vector<2048x1xf32>
    %dot_general3A_95 = tpu.matmul %mul3A_90, %get3A_93, %dot_general3A_94 {dimension_numbers = #tpu.dot_dimension_numbers<[1], [0], [0], [1], [0, 0, 1, 1], [], []>, transpose_lhs_hint = false} : vector<2048x128xf32>, vector<128x1xf32>, vector<2048x1xf32> -> vector<2048x1xf32>
    %get3A_96 = arith.constant 0 : index
    %get3A_97 = arith.constant 0 : index
    %get3A_98 = vector.load %arg16[%get3A_96, %get3A_97] : memref<1x1xf32, #tpu.memory_space<vmem>>, vector<1x1xf32>
    %add3A_99 = vector.broadcast %get3A_98 : vector<1x1xf32> to vector<2048x1xf32>
    %add3A_100 = arith.addf %dot_general3A_95, %add3A_99 : vector<2048x1xf32>
    %sqrt3A = math.sqrt %broadcast_in_dim3A : vector<2048x1xf32>
    %add3A_101 = arith.constant 1.000000e+00 : f32
    %add3A_102 = vector.broadcast %add3A_101 : f32 to vector<2048x1xf32>
    %add3A_103 = arith.addf %sqrt3A, %add3A_102 : vector<2048x1xf32>
    %div3A = vector.broadcast %add3A_103 : vector<2048x1xf32> to vector<2048x3xf32>
    %div3A_104 = arith.divf %sub3A, %div3A : vector<2048x3xf32>
    %mul3A_105 = vector.broadcast %add3A_100 : vector<2048x1xf32> to vector<2048x3xf32>
    %mul3A_106 = arith.mulf %div3A_104, %mul3A_105 : vector<2048x3xf32>
    %swap3A_107 = arith.constant 0 : index
    %swap3A_108 = arith.constant 0 : index
    %swap3A_109 = vector.load %arg17[%swap3A_107, %swap3A_108] : memref<2048x128xf32, #tpu.memory_space<vmem>>, vector<2048x128xf32>
    tpu.vector_store %arg17[%swap3A_107, %swap3A_108], %mul3A_90 {strides = array<i32>} : memref<2048x128xf32, #tpu.memory_space<vmem>>, vector<2048x128xf32>,
    %broadcast_in_dim3A_110 = arith.constant 0.000000e+00 : f32
    %broadcast_in_dim3A_111 = vector.broadcast %broadcast_in_dim3A_110 : f32 to vector<2048x125xf32>
    %concatenate3A = tpu.concatenate %mul3A_106, %broadcast_in_dim3A_111 in 1 : vector<2048x3xf32>, vector<2048x125xf32> -> vector<2048x128xf32>
    %swap3A_112 = arith.constant 0 : index
    %swap3A_113 = arith.constant 0 : index
    %swap3A_114 = vector.load %arg18[%swap3A_112, %swap3A_113] : memref<2048x128xf32, #tpu.memory_space<vmem>>, vector<2048x128xf32>
    tpu.vector_store %arg18[%swap3A_112, %swap3A_113], %concatenate3A {strides = array<i32>} : memref<2048x128xf32, #tpu.memory_space<vmem>>, vector<2048x128xf32>,
    return
  }
  func.func @transform_0(%arg0: i32) -> (i32, i32) {
    %add3A = arith.constant 0 : i32
    %add3A_0 = arith.addi %arg0, %add3A : i32
    %c0_i32 = arith.constant 0 : i32
    %c0_i32_1 = arith.constant 0 : i32
    return %add3A_0, %c0_i32 : i32, i32
  }
  func.func @transform_1(%arg0: i32) -> (i32, i32) {
    %add3A = arith.constant 158 : i32
    %add3A_0 = arith.addi %arg0, %add3A : i32
    %c0_i32 = arith.constant 0 : i32
    %c0_i32_1 = arith.constant 0 : i32
    return %add3A_0, %c0_i32 : i32, i32
  }
  func.func @transform_2(%arg0: i32) -> (i32, i32) {
    %add3A = arith.constant 0 : i32
    %add3A_0 = arith.addi %arg0, %add3A : i32
    %c0_i32 = arith.constant 0 : i32
    %c0_i32_1 = arith.constant 0 : i32
    return %add3A_0, %c0_i32 : i32, i32
  }
  func.func @transform_3(%arg0: i32) -> (i32, i32) {
    %c0_i32 = arith.constant 0 : i32
    %c0_i32_0 = arith.constant 0 : i32
    %c0_i32_1 = arith.constant 0 : i32
    return %c0_i32, %c0_i32_0 : i32, i32
  }
  func.func @transform_4(%arg0: i32) -> (i32, i32) {
    %c0_i32 = arith.constant 0 : i32
    %c0_i32_0 = arith.constant 0 : i32
    %c0_i32_1 = arith.constant 0 : i32
    return %c0_i32, %c0_i32_0 : i32, i32
  }
  func.func @transform_5(%arg0: i32) -> (i32, i32) {
    %c0_i32 = arith.constant 0 : i32
    %c0_i32_0 = arith.constant 0 : i32
    %c0_i32_1 = arith.constant 0 : i32
    return %c0_i32, %c0_i32_0 : i32, i32
  }
  func.func @transform_6(%arg0: i32) -> (i32, i32) {
    %c0_i32 = arith.constant 0 : i32
    %c0_i32_0 = arith.constant 0 : i32
    %c0_i32_1 = arith.constant 0 : i32
    return %c0_i32, %c0_i32_0 : i32, i32
  }
  func.func @transform_7(%arg0: i32) -> (i32, i32) {
    %c0_i32 = arith.constant 0 : i32
    %c0_i32_0 = arith.constant 0 : i32
    %c0_i32_1 = arith.constant 0 : i32
    return %c0_i32, %c0_i32_0 : i32, i32
  }
  func.func @transform_8(%arg0: i32) -> (i32, i32) {
    %c0_i32 = arith.constant 0 : i32
    %c0_i32_0 = arith.constant 0 : i32
    %c0_i32_1 = arith.constant 0 : i32
    return %c0_i32, %c0_i32_0 : i32, i32
  }
  func.func @transform_9(%arg0: i32) -> (i32, i32) {
    %c0_i32 = arith.constant 0 : i32
    %c0_i32_0 = arith.constant 0 : i32
    %c0_i32_1 = arith.constant 0 : i32
    return %c0_i32, %c0_i32_0 : i32, i32
  }
  func.func @transform_10(%arg0: i32) -> (i32, i32) {
    %c0_i32 = arith.constant 0 : i32
    %c0_i32_0 = arith.constant 0 : i32
    %c0_i32_1 = arith.constant 0 : i32
    return %c0_i32, %c0_i32_0 : i32, i32
  }
  func.func @transform_11(%arg0: i32) -> (i32, i32) {
    %c0_i32 = arith.constant 0 : i32
    %c0_i32_0 = arith.constant 0 : i32
    %c0_i32_1 = arith.constant 0 : i32
    return %c0_i32, %c0_i32_0 : i32, i32
  }
  func.func @transform_12(%arg0: i32) -> (i32, i32) {
    %c0_i32 = arith.constant 0 : i32
    %c0_i32_0 = arith.constant 0 : i32
    %c0_i32_1 = arith.constant 0 : i32
    return %c0_i32, %c0_i32_0 : i32, i32
  }
  func.func @transform_13(%arg0: i32) -> (i32, i32) {
    %c0_i32 = arith.constant 0 : i32
    %c0_i32_0 = arith.constant 0 : i32
    %c0_i32_1 = arith.constant 0 : i32
    return %c0_i32, %c0_i32_0 : i32, i32
  }
  func.func @transform_14(%arg0: i32) -> (i32, i32) {
    %c0_i32 = arith.constant 0 : i32
    %c0_i32_0 = arith.constant 0 : i32
    %c0_i32_1 = arith.constant 0 : i32
    return %c0_i32, %c0_i32_0 : i32, i32
  }
  func.func @transform_15(%arg0: i32) -> (i32, i32) {
    %c0_i32 = arith.constant 0 : i32
    %c0_i32_0 = arith.constant 0 : i32
    %c0_i32_1 = arith.constant 0 : i32
    return %c0_i32, %c0_i32_0 : i32, i32
  }
  func.func @transform_16(%arg0: i32) -> (i32, i32) {
    %add3A = arith.constant 0 : i32
    %add3A_0 = arith.addi %arg0, %add3A : i32
    %c0_i32 = arith.constant 0 : i32
    %c0_i32_1 = arith.constant 0 : i32
    return %add3A_0, %c0_i32 : i32, i32
  }
  func.func @transform_17(%arg0: i32) -> (i32, i32) {
    %add3A = arith.constant 0 : i32
    %add3A_0 = arith.addi %arg0, %add3A : i32
    %c0_i32 = arith.constant 0 : i32
    %c0_i32_1 = arith.constant 0 : i32
    return %add3A_0, %c0_i32 : i32, i32
  }
  func.func @transform_18(%arg0: i32) -> (i32, i32) {
    %add3A = arith.constant 0 : i32
    %add3A_0 = arith.addi %arg0, %add3A : i32
    %c0_i32 = arith.constant 0 : i32
    %c0_i32_1 = arith.constant 0 : i32
    return %add3A_0, %c0_i32 : i32, i32
  }
}

module attributes {stable_mosaic.version = 14 : i64} {
  func.func @_node_body(%arg0: i32, %arg1: memref<2048x256xf32, #tpu.memory_space<vmem>>, %arg2: memref<1x2048x128xf32, #tpu.memory_space<vmem>>, %arg3: memref<1x2048x128xf32, #tpu.memory_space<vmem>>, %arg4: memref<128x128xf32, #tpu.memory_space<vmem>>, %arg5: memref<128x128xf32, #tpu.memory_space<vmem>>, %arg6: memref<1x128xf32, #tpu.memory_space<vmem>>, %arg7: memref<128x128xf32, #tpu.memory_space<vmem>>, %arg8: memref<1x128xf32, #tpu.memory_space<vmem>>, %arg9: memref<2048x256xf32, #tpu.memory_space<vmem>>) attributes {dimension_semantics = [#tpu.dimension_semantics<arbitrary>], iteration_bounds = array<i64: 5>, scalar_prefetch = 0 : i64, scratch_operands = 0 : i64, tpu.core_type = #tpu.core_type<tc>, window_params = [{transform_indices = @transform_0, window_bounds = array<i64: 2048, 256>}, {transform_indices = @transform_1, window_bounds = array<i64: 1, 2048, 128>}, {transform_indices = @transform_2, window_bounds = array<i64: 1, 2048, 128>}, {pipeline_mode = #tpu.pipeline_mode<synchronous>, transform_indices = @transform_3, window_bounds = array<i64: 128, 128>}, {pipeline_mode = #tpu.pipeline_mode<synchronous>, transform_indices = @transform_4, window_bounds = array<i64: 128, 128>}, {pipeline_mode = #tpu.pipeline_mode<synchronous>, transform_indices = @transform_5, window_bounds = array<i64: 1, 128>}, {pipeline_mode = #tpu.pipeline_mode<synchronous>, transform_indices = @transform_6, window_bounds = array<i64: 128, 128>}, {pipeline_mode = #tpu.pipeline_mode<synchronous>, transform_indices = @transform_7, window_bounds = array<i64: 1, 128>}, {transform_indices = @transform_8, window_bounds = array<i64: 2048, 256>}]} {
    %get3A = arith.constant 0 : index
    %get3A_0 = arith.constant 0 : index
    %get3A_1 = vector.load %arg1[%get3A, %get3A_0] : memref<2048x256xf32, #tpu.memory_space<vmem>>, vector<2048x256xf32>
    %slice3A = vector.extract_strided_slice %get3A_1 {offsets = [0, 0], sizes = [2048, 128], strides = [1, 1]} : vector<2048x256xf32> to vector<2048x128xf32>
    %get3A_2 = arith.constant 0 : index
    %get3A_3 = arith.constant 0 : index
    %get3A_4 = vector.load %arg4[%get3A_2, %get3A_3] : memref<128x128xf32, #tpu.memory_space<vmem>>, vector<128x128xf32>
    %dot_general3A = arith.constant dense<0.000000e+00> : vector<2048x128xf32>
    %dot_general3A_5 = tpu.matmul %slice3A, %get3A_4, %dot_general3A {dimension_numbers = #tpu.dot_dimension_numbers<[1], [0], [0], [1], [0, 0, 1, 1], [], []>, transpose_lhs_hint = false} : vector<2048x128xf32>, vector<128x128xf32>, vector<2048x128xf32> -> vector<2048x128xf32>
    %get3A_6 = arith.constant 0 : index
    %get3A_7 = arith.constant 0 : index
    %get3A_8 = arith.constant 0 : index
    %get3A_9 = vector.load %arg2[%get3A_6, %get3A_7, %get3A_8] : memref<1x2048x128xf32, #tpu.memory_space<vmem>>, vector<1x2048x128xf32>
    %get3A_10 = vector.shape_cast %get3A_9 : vector<1x2048x128xf32> to vector<2048x128xf32>
    %get3A_11 = arith.constant 0 : index
    %get3A_12 = arith.constant 0 : index
    %get3A_13 = vector.load %arg5[%get3A_11, %get3A_12] : memref<128x128xf32, #tpu.memory_space<vmem>>, vector<128x128xf32>
    %dot_general3A_14 = arith.constant dense<0.000000e+00> : vector<2048x128xf32>
    %dot_general3A_15 = tpu.matmul %get3A_10, %get3A_13, %dot_general3A_14 {dimension_numbers = #tpu.dot_dimension_numbers<[1], [0], [0], [1], [0, 0, 1, 1], [], []>, transpose_lhs_hint = false} : vector<2048x128xf32>, vector<128x128xf32>, vector<2048x128xf32> -> vector<2048x128xf32>
    %add3A = arith.addf %dot_general3A_5, %dot_general3A_15 : vector<2048x128xf32>
    %get3A_16 = arith.constant 0 : index
    %get3A_17 = arith.constant 0 : index
    %get3A_18 = vector.load %arg6[%get3A_16, %get3A_17] : memref<1x128xf32, #tpu.memory_space<vmem>>, vector<1x128xf32>
    %add3A_19 = vector.broadcast %get3A_18 : vector<1x128xf32> to vector<2048x128xf32>
    %add3A_20 = arith.addf %add3A, %add3A_19 : vector<2048x128xf32>
    %logistic3A = arith.negf %add3A_20 : vector<2048x128xf32>
    %logistic3A_21 = math.exp %logistic3A : vector<2048x128xf32>
    %logistic3A_22 = arith.constant 1.000000e+00 : f32
    %logistic3A_23 = vector.broadcast %logistic3A_22 : f32 to vector<2048x128xf32>
    %logistic3A_24 = arith.addf %logistic3A_23, %logistic3A_21 : vector<2048x128xf32>
    %logistic3A_25 = arith.divf %logistic3A_23, %logistic3A_24 : vector<2048x128xf32>
    %mul3A = arith.mulf %add3A_20, %logistic3A_25 : vector<2048x128xf32>
    %get3A_26 = arith.constant 0 : index
    %get3A_27 = arith.constant 0 : index
    %get3A_28 = vector.load %arg7[%get3A_26, %get3A_27] : memref<128x128xf32, #tpu.memory_space<vmem>>, vector<128x128xf32>
    %dot_general3A_29 = arith.constant dense<0.000000e+00> : vector<2048x128xf32>
    %dot_general3A_30 = tpu.matmul %mul3A, %get3A_28, %dot_general3A_29 {dimension_numbers = #tpu.dot_dimension_numbers<[1], [0], [0], [1], [0, 0, 1, 1], [], []>, transpose_lhs_hint = false} : vector<2048x128xf32>, vector<128x128xf32>, vector<2048x128xf32> -> vector<2048x128xf32>
    %add3A_31 = arith.addf %slice3A, %dot_general3A_30 : vector<2048x128xf32>
    %get3A_32 = arith.constant 0 : index
    %get3A_33 = arith.constant 0 : index
    %get3A_34 = vector.load %arg8[%get3A_32, %get3A_33] : memref<1x128xf32, #tpu.memory_space<vmem>>, vector<1x128xf32>
    %add3A_35 = vector.broadcast %get3A_34 : vector<1x128xf32> to vector<2048x128xf32>
    %add3A_36 = arith.addf %add3A_31, %add3A_35 : vector<2048x128xf32>
    %slice3A_37 = vector.extract_strided_slice %get3A_1 {offsets = [0, 128], sizes = [2048, 128], strides = [1, 1]} : vector<2048x256xf32> to vector<2048x128xf32>
    %get3A_38 = arith.constant 0 : index
    %get3A_39 = arith.constant 0 : index
    %get3A_40 = arith.constant 0 : index
    %get3A_41 = vector.load %arg3[%get3A_38, %get3A_39, %get3A_40] : memref<1x2048x128xf32, #tpu.memory_space<vmem>>, vector<1x2048x128xf32>
    %get3A_42 = vector.shape_cast %get3A_41 : vector<1x2048x128xf32> to vector<2048x128xf32>
    %add3A_43 = arith.addf %slice3A_37, %get3A_42 : vector<2048x128xf32>
    %concatenate3A = tpu.concatenate %add3A_36, %add3A_43 in 1 : vector<2048x128xf32>, vector<2048x128xf32> -> vector<2048x256xf32>
    %swap3A = arith.constant 0 : index
    %swap3A_44 = arith.constant 0 : index
    %swap3A_45 = vector.load %arg9[%swap3A, %swap3A_44] : memref<2048x256xf32, #tpu.memory_space<vmem>>, vector<2048x256xf32>
    tpu.vector_store %arg9[%swap3A, %swap3A_44], %concatenate3A {strides = array<i32>} : memref<2048x256xf32, #tpu.memory_space<vmem>>, vector<2048x256xf32>,
    return
  }
  func.func @transform_0(%arg0: i32) -> (i32, i32) {
    %c0_i32 = arith.constant 0 : i32
    %c0_i32_0 = arith.constant 0 : i32
    return %arg0, %c0_i32 : i32, i32
  }
  func.func @transform_1(%arg0: i32) -> (i32, i32, i32) {
    %c0_i32 = arith.constant 0 : i32
    %c0_i32_0 = arith.constant 0 : i32
    %c0_i32_1 = arith.constant 0 : i32
    return %c0_i32, %arg0, %c0_i32_0 : i32, i32, i32
  }
  func.func @transform_2(%arg0: i32) -> (i32, i32, i32) {
    %c1_i32 = arith.constant 1 : i32
    %c0_i32 = arith.constant 0 : i32
    %c0_i32_0 = arith.constant 0 : i32
    return %c1_i32, %arg0, %c0_i32 : i32, i32, i32
  }
  func.func @transform_3(%arg0: i32) -> (i32, i32) {
    %c0_i32 = arith.constant 0 : i32
    %c0_i32_0 = arith.constant 0 : i32
    %c0_i32_1 = arith.constant 0 : i32
    return %c0_i32, %c0_i32_0 : i32, i32
  }
  func.func @transform_4(%arg0: i32) -> (i32, i32) {
    %c0_i32 = arith.constant 0 : i32
    %c0_i32_0 = arith.constant 0 : i32
    %c0_i32_1 = arith.constant 0 : i32
    return %c0_i32, %c0_i32_0 : i32, i32
  }
  func.func @transform_5(%arg0: i32) -> (i32, i32) {
    %c0_i32 = arith.constant 0 : i32
    %c0_i32_0 = arith.constant 0 : i32
    %c0_i32_1 = arith.constant 0 : i32
    return %c0_i32, %c0_i32_0 : i32, i32
  }
  func.func @transform_6(%arg0: i32) -> (i32, i32) {
    %c0_i32 = arith.constant 0 : i32
    %c0_i32_0 = arith.constant 0 : i32
    %c0_i32_1 = arith.constant 0 : i32
    return %c0_i32, %c0_i32_0 : i32, i32
  }
  func.func @transform_7(%arg0: i32) -> (i32, i32) {
    %c0_i32 = arith.constant 0 : i32
    %c0_i32_0 = arith.constant 0 : i32
    %c0_i32_1 = arith.constant 0 : i32
    return %c0_i32, %c0_i32_0 : i32, i32
  }
  func.func @transform_8(%arg0: i32) -> (i32, i32) {
    %c0_i32 = arith.constant 0 : i32
    %c0_i32_0 = arith.constant 0 : i32
    return %arg0, %c0_i32 : i32, i32
  }
}

module attributes {stable_mosaic.version = 14 : i64} {
  func.func @_edge_body_l1(%arg0: i32, %arg1: memref<2048x256xf32, #tpu.memory_space<vmem>>, %arg2: memref<2048x256xf32, #tpu.memory_space<vmem>>, %arg3: memref<2048x16xf32, #tpu.memory_space<vmem>>, %arg4: memref<128x128xf32, #tpu.memory_space<vmem>>, %arg5: memref<128x128xf32, #tpu.memory_space<vmem>>, %arg6: memref<1x128xf32, #tpu.memory_space<vmem>>, %arg7: memref<16x128xf32, #tpu.memory_space<vmem>>, %arg8: memref<1x128xf32, #tpu.memory_space<vmem>>, %arg9: memref<128x128xf32, #tpu.memory_space<vmem>>, %arg10: memref<1x128xf32, #tpu.memory_space<vmem>>, %arg11: memref<128x1xf32, #tpu.memory_space<vmem>>, %arg12: memref<1x1xf32, #tpu.memory_space<vmem>>, %arg13: memref<2048x128xf32, #tpu.memory_space<vmem>>, %arg14: memref<2048x128xf32, #tpu.memory_space<vmem>>) attributes {dimension_semantics = [#tpu.dimension_semantics<arbitrary>], iteration_bounds = array<i64: 158>, scalar_prefetch = 0 : i64, scratch_operands = 0 : i64, tpu.core_type = #tpu.core_type<tc>, window_params = [{transform_indices = @transform_0, window_bounds = array<i64: 2048, 256>}, {transform_indices = @transform_1, window_bounds = array<i64: 2048, 256>}, {transform_indices = @transform_2, window_bounds = array<i64: 2048, 16>}, {pipeline_mode = #tpu.pipeline_mode<synchronous>, transform_indices = @transform_3, window_bounds = array<i64: 128, 128>}, {pipeline_mode = #tpu.pipeline_mode<synchronous>, transform_indices = @transform_4, window_bounds = array<i64: 128, 128>}, {pipeline_mode = #tpu.pipeline_mode<synchronous>, transform_indices = @transform_5, window_bounds = array<i64: 1, 128>}, {pipeline_mode = #tpu.pipeline_mode<synchronous>, transform_indices = @transform_6, window_bounds = array<i64: 16, 128>}, {pipeline_mode = #tpu.pipeline_mode<synchronous>, transform_indices = @transform_7, window_bounds = array<i64: 1, 128>}, {pipeline_mode = #tpu.pipeline_mode<synchronous>, transform_indices = @transform_8, window_bounds = array<i64: 128, 128>}, {pipeline_mode = #tpu.pipeline_mode<synchronous>, transform_indices = @transform_9, window_bounds = array<i64: 1, 128>}, {pipeline_mode = #tpu.pipeline_mode<synchronous>, transform_indices = @transform_10, window_bounds = array<i64: 128, 1>}, {pipeline_mode = #tpu.pipeline_mode<synchronous>, transform_indices = @transform_11, window_bounds = array<i64: 1, 1>}, {transform_indices = @transform_12, window_bounds = array<i64: 2048, 128>}, {transform_indices = @transform_13, window_bounds = array<i64: 2048, 128>}]} {
    %get3A = arith.constant 0 : index
    %get3A_0 = arith.constant 0 : index
    %get3A_1 = vector.load %arg3[%get3A, %get3A_0] : memref<2048x16xf32, #tpu.memory_space<vmem>>, vector<2048x16xf32>
    %get3A_2 = arith.constant 0 : index
    %get3A_3 = arith.constant 0 : index
    %get3A_4 = vector.load %arg1[%get3A_2, %get3A_3] : memref<2048x256xf32, #tpu.memory_space<vmem>>, vector<2048x256xf32>
    %get3A_5 = arith.constant 0 : index
    %get3A_6 = arith.constant 0 : index
    %get3A_7 = vector.load %arg2[%get3A_5, %get3A_6] : memref<2048x256xf32, #tpu.memory_space<vmem>>, vector<2048x256xf32>
    %slice3A = vector.extract_strided_slice %get3A_4 {offsets = [0, 0], sizes = [2048, 128], strides = [1, 1]} : vector<2048x256xf32> to vector<2048x128xf32>
    %slice3A_8 = vector.extract_strided_slice %get3A_7 {offsets = [0, 0], sizes = [2048, 128], strides = [1, 1]} : vector<2048x256xf32> to vector<2048x128xf32>
    %slice3A_9 = vector.extract_strided_slice %get3A_4 {offsets = [0, 128], sizes = [2048, 3], strides = [1, 1]} : vector<2048x256xf32> to vector<2048x3xf32>
    %slice3A_10 = vector.extract_strided_slice %get3A_7 {offsets = [0, 128], sizes = [2048, 3], strides = [1, 1]} : vector<2048x256xf32> to vector<2048x3xf32>
    %sub3A = arith.subf %slice3A_9, %slice3A_10 : vector<2048x3xf32>
    %mul3A = arith.mulf %sub3A, %sub3A : vector<2048x3xf32>
    %reduce_sum3A = arith.constant dense<0.000000e+00> : vector<2048xf32>
    %reduce_sum3A_11 = vector.multi_reduction <add>, %mul3A, %reduce_sum3A [1] : vector<2048x3xf32> to vector<2048xf32>
    %broadcast_in_dim3A = vector.shape_cast %reduce_sum3A_11 : vector<2048xf32> to vector<2048x1xf32>
    %get3A_12 = arith.constant 0 : index
    %get3A_13 = arith.constant 0 : index
    %get3A_14 = vector.load %arg4[%get3A_12, %get3A_13] : memref<128x128xf32, #tpu.memory_space<vmem>>, vector<128x128xf32>
    %dot_general3A = arith.constant dense<0.000000e+00> : vector<2048x128xf32>
    %dot_general3A_15 = tpu.matmul %slice3A, %get3A_14, %dot_general3A {dimension_numbers = #tpu.dot_dimension_numbers<[1], [0], [0], [1], [0, 0, 1, 1], [], []>, transpose_lhs_hint = false} : vector<2048x128xf32>, vector<128x128xf32>, vector<2048x128xf32> -> vector<2048x128xf32>
    %get3A_16 = arith.constant 0 : index
    %get3A_17 = arith.constant 0 : index
    %get3A_18 = vector.load %arg5[%get3A_16, %get3A_17] : memref<128x128xf32, #tpu.memory_space<vmem>>, vector<128x128xf32>
    %dot_general3A_19 = arith.constant dense<0.000000e+00> : vector<2048x128xf32>
    %dot_general3A_20 = tpu.matmul %slice3A_8, %get3A_18, %dot_general3A_19 {dimension_numbers = #tpu.dot_dimension_numbers<[1], [0], [0], [1], [0, 0, 1, 1], [], []>, transpose_lhs_hint = false} : vector<2048x128xf32>, vector<128x128xf32>, vector<2048x128xf32> -> vector<2048x128xf32>
    %add3A = arith.addf %dot_general3A_15, %dot_general3A_20 : vector<2048x128xf32>
    %get3A_21 = arith.constant 0 : index
    %get3A_22 = arith.constant 0 : index
    %get3A_23 = vector.load %arg6[%get3A_21, %get3A_22] : memref<1x128xf32, #tpu.memory_space<vmem>>, vector<1x128xf32>
    %mul3A_24 = vector.broadcast %broadcast_in_dim3A : vector<2048x1xf32> to vector<2048x128xf32>
    %mul3A_25 = vector.broadcast %get3A_23 : vector<1x128xf32> to vector<2048x128xf32>
    %mul3A_26 = arith.mulf %mul3A_24, %mul3A_25 : vector<2048x128xf32>
    %add3A_27 = arith.addf %add3A, %mul3A_26 : vector<2048x128xf32>
    %get3A_28 = arith.constant 0 : index
    %get3A_29 = arith.constant 0 : index
    %get3A_30 = vector.load %arg7[%get3A_28, %get3A_29] : memref<16x128xf32, #tpu.memory_space<vmem>>, vector<16x128xf32>
    %dot_general3A_31 = arith.constant dense<0.000000e+00> : vector<2048x128xf32>
    %dot_general3A_32 = tpu.matmul %get3A_1, %get3A_30, %dot_general3A_31 {dimension_numbers = #tpu.dot_dimension_numbers<[1], [0], [0], [1], [0, 0, 1, 1], [], []>, transpose_lhs_hint = false} : vector<2048x16xf32>, vector<16x128xf32>, vector<2048x128xf32> -> vector<2048x128xf32>
    %add3A_33 = arith.addf %add3A_27, %dot_general3A_32 : vector<2048x128xf32>
    %get3A_34 = arith.constant 0 : index
    %get3A_35 = arith.constant 0 : index
    %get3A_36 = vector.load %arg8[%get3A_34, %get3A_35] : memref<1x128xf32, #tpu.memory_space<vmem>>, vector<1x128xf32>
    %add3A_37 = vector.broadcast %get3A_36 : vector<1x128xf32> to vector<2048x128xf32>
    %add3A_38 = arith.addf %add3A_33, %add3A_37 : vector<2048x128xf32>
    %logistic3A = arith.negf %add3A_38 : vector<2048x128xf32>
    %logistic3A_39 = math.exp %logistic3A : vector<2048x128xf32>
    %logistic3A_40 = arith.constant 1.000000e+00 : f32
    %logistic3A_41 = vector.broadcast %logistic3A_40 : f32 to vector<2048x128xf32>
    %logistic3A_42 = arith.addf %logistic3A_41, %logistic3A_39 : vector<2048x128xf32>
    %logistic3A_43 = arith.divf %logistic3A_41, %logistic3A_42 : vector<2048x128xf32>
    %mul3A_44 = arith.mulf %add3A_38, %logistic3A_43 : vector<2048x128xf32>
    %get3A_45 = arith.constant 0 : index
    %get3A_46 = arith.constant 0 : index
    %get3A_47 = vector.load %arg9[%get3A_45, %get3A_46] : memref<128x128xf32, #tpu.memory_space<vmem>>, vector<128x128xf32>
    %dot_general3A_48 = arith.constant dense<0.000000e+00> : vector<2048x128xf32>
    %dot_general3A_49 = tpu.matmul %mul3A_44, %get3A_47, %dot_general3A_48 {dimension_numbers = #tpu.dot_dimension_numbers<[1], [0], [0], [1], [0, 0, 1, 1], [], []>, transpose_lhs_hint = false} : vector<2048x128xf32>, vector<128x128xf32>, vector<2048x128xf32> -> vector<2048x128xf32>
    %get3A_50 = arith.constant 0 : index
    %get3A_51 = arith.constant 0 : index
    %get3A_52 = vector.load %arg10[%get3A_50, %get3A_51] : memref<1x128xf32, #tpu.memory_space<vmem>>, vector<1x128xf32>
    %add3A_53 = vector.broadcast %get3A_52 : vector<1x128xf32> to vector<2048x128xf32>
    %add3A_54 = arith.addf %dot_general3A_49, %add3A_53 : vector<2048x128xf32>
    %logistic3A_55 = arith.negf %add3A_54 : vector<2048x128xf32>
    %logistic3A_56 = math.exp %logistic3A_55 : vector<2048x128xf32>
    %logistic3A_57 = arith.constant 1.000000e+00 : f32
    %logistic3A_58 = vector.broadcast %logistic3A_57 : f32 to vector<2048x128xf32>
    %logistic3A_59 = arith.addf %logistic3A_58, %logistic3A_56 : vector<2048x128xf32>
    %logistic3A_60 = arith.divf %logistic3A_58, %logistic3A_59 : vector<2048x128xf32>
    %mul3A_61 = arith.mulf %add3A_54, %logistic3A_60 : vector<2048x128xf32>
    %get3A_62 = arith.constant 0 : index
    %get3A_63 = arith.constant 0 : index
    %get3A_64 = vector.load %arg11[%get3A_62, %get3A_63] : memref<128x1xf32, #tpu.memory_space<vmem>>, vector<128x1xf32>
    %dot_general3A_65 = arith.constant dense<0.000000e+00> : vector<2048x1xf32>
    %dot_general3A_66 = tpu.matmul %mul3A_61, %get3A_64, %dot_general3A_65 {dimension_numbers = #tpu.dot_dimension_numbers<[1], [0], [0], [1], [0, 0, 1, 1], [], []>, transpose_lhs_hint = false} : vector<2048x128xf32>, vector<128x1xf32>, vector<2048x1xf32> -> vector<2048x1xf32>
    %get3A_67 = arith.constant 0 : index
    %get3A_68 = arith.constant 0 : index
    %get3A_69 = vector.load %arg12[%get3A_67, %get3A_68] : memref<1x1xf32, #tpu.memory_space<vmem>>, vector<1x1xf32>
    %add3A_70 = vector.broadcast %get3A_69 : vector<1x1xf32> to vector<2048x1xf32>
    %add3A_71 = arith.addf %dot_general3A_66, %add3A_70 : vector<2048x1xf32>
    %sqrt3A = math.sqrt %broadcast_in_dim3A : vector<2048x1xf32>
    %add3A_72 = arith.constant 1.000000e+00 : f32
    %add3A_73 = vector.broadcast %add3A_72 : f32 to vector<2048x1xf32>
    %add3A_74 = arith.addf %sqrt3A, %add3A_73 : vector<2048x1xf32>
    %div3A = vector.broadcast %add3A_74 : vector<2048x1xf32> to vector<2048x3xf32>
    %div3A_75 = arith.divf %sub3A, %div3A : vector<2048x3xf32>
    %mul3A_76 = vector.broadcast %add3A_71 : vector<2048x1xf32> to vector<2048x3xf32>
    %mul3A_77 = arith.mulf %div3A_75, %mul3A_76 : vector<2048x3xf32>
    %swap3A = arith.constant 0 : index
    %swap3A_78 = arith.constant 0 : index
    %swap3A_79 = vector.load %arg13[%swap3A, %swap3A_78] : memref<2048x128xf32, #tpu.memory_space<vmem>>, vector<2048x128xf32>
    tpu.vector_store %arg13[%swap3A, %swap3A_78], %mul3A_61 {strides = array<i32>} : memref<2048x128xf32, #tpu.memory_space<vmem>>, vector<2048x128xf32>,
    %broadcast_in_dim3A_80 = arith.constant 0.000000e+00 : f32
    %broadcast_in_dim3A_81 = vector.broadcast %broadcast_in_dim3A_80 : f32 to vector<2048x125xf32>
    %concatenate3A = tpu.concatenate %mul3A_77, %broadcast_in_dim3A_81 in 1 : vector<2048x3xf32>, vector<2048x125xf32> -> vector<2048x128xf32>
    %swap3A_82 = arith.constant 0 : index
    %swap3A_83 = arith.constant 0 : index
    %swap3A_84 = vector.load %arg14[%swap3A_82, %swap3A_83] : memref<2048x128xf32, #tpu.memory_space<vmem>>, vector<2048x128xf32>
    tpu.vector_store %arg14[%swap3A_82, %swap3A_83], %concatenate3A {strides = array<i32>} : memref<2048x128xf32, #tpu.memory_space<vmem>>, vector<2048x128xf32>,
    return
  }
  func.func @transform_0(%arg0: i32) -> (i32, i32) {
    %add3A = arith.constant 0 : i32
    %add3A_0 = arith.addi %arg0, %add3A : i32
    %c0_i32 = arith.constant 0 : i32
    %c0_i32_1 = arith.constant 0 : i32
    return %add3A_0, %c0_i32 : i32, i32
  }
  func.func @transform_1(%arg0: i32) -> (i32, i32) {
    %add3A = arith.constant 158 : i32
    %add3A_0 = arith.addi %arg0, %add3A : i32
    %c0_i32 = arith.constant 0 : i32
    %c0_i32_1 = arith.constant 0 : i32
    return %add3A_0, %c0_i32 : i32, i32
  }
  func.func @transform_2(%arg0: i32) -> (i32, i32) {
    %add3A = arith.constant 0 : i32
    %add3A_0 = arith.addi %arg0, %add3A : i32
    %c0_i32 = arith.constant 0 : i32
    %c0_i32_1 = arith.constant 0 : i32
    return %add3A_0, %c0_i32 : i32, i32
  }
  func.func @transform_3(%arg0: i32) -> (i32, i32) {
    %c0_i32 = arith.constant 0 : i32
    %c0_i32_0 = arith.constant 0 : i32
    %c0_i32_1 = arith.constant 0 : i32
    return %c0_i32, %c0_i32_0 : i32, i32
  }
  func.func @transform_4(%arg0: i32) -> (i32, i32) {
    %c0_i32 = arith.constant 0 : i32
    %c0_i32_0 = arith.constant 0 : i32
    %c0_i32_1 = arith.constant 0 : i32
    return %c0_i32, %c0_i32_0 : i32, i32
  }
  func.func @transform_5(%arg0: i32) -> (i32, i32) {
    %c0_i32 = arith.constant 0 : i32
    %c0_i32_0 = arith.constant 0 : i32
    %c0_i32_1 = arith.constant 0 : i32
    return %c0_i32, %c0_i32_0 : i32, i32
  }
  func.func @transform_6(%arg0: i32) -> (i32, i32) {
    %c0_i32 = arith.constant 0 : i32
    %c0_i32_0 = arith.constant 0 : i32
    %c0_i32_1 = arith.constant 0 : i32
    return %c0_i32, %c0_i32_0 : i32, i32
  }
  func.func @transform_7(%arg0: i32) -> (i32, i32) {
    %c0_i32 = arith.constant 0 : i32
    %c0_i32_0 = arith.constant 0 : i32
    %c0_i32_1 = arith.constant 0 : i32
    return %c0_i32, %c0_i32_0 : i32, i32
  }
  func.func @transform_8(%arg0: i32) -> (i32, i32) {
    %c0_i32 = arith.constant 0 : i32
    %c0_i32_0 = arith.constant 0 : i32
    %c0_i32_1 = arith.constant 0 : i32
    return %c0_i32, %c0_i32_0 : i32, i32
  }
  func.func @transform_9(%arg0: i32) -> (i32, i32) {
    %c0_i32 = arith.constant 0 : i32
    %c0_i32_0 = arith.constant 0 : i32
    %c0_i32_1 = arith.constant 0 : i32
    return %c0_i32, %c0_i32_0 : i32, i32
  }
  func.func @transform_10(%arg0: i32) -> (i32, i32) {
    %c0_i32 = arith.constant 0 : i32
    %c0_i32_0 = arith.constant 0 : i32
    %c0_i32_1 = arith.constant 0 : i32
    return %c0_i32, %c0_i32_0 : i32, i32
  }
  func.func @transform_11(%arg0: i32) -> (i32, i32) {
    %c0_i32 = arith.constant 0 : i32
    %c0_i32_0 = arith.constant 0 : i32
    %c0_i32_1 = arith.constant 0 : i32
    return %c0_i32, %c0_i32_0 : i32, i32
  }
  func.func @transform_12(%arg0: i32) -> (i32, i32) {
    %add3A = arith.constant 0 : i32
    %add3A_0 = arith.addi %arg0, %add3A : i32
    %c0_i32 = arith.constant 0 : i32
    %c0_i32_1 = arith.constant 0 : i32
    return %add3A_0, %c0_i32 : i32, i32
  }
  func.func @transform_13(%arg0: i32) -> (i32, i32) {
    %add3A = arith.constant 0 : i32
    %add3A_0 = arith.addi %arg0, %add3A : i32
    %c0_i32 = arith.constant 0 : i32
    %c0_i32_1 = arith.constant 0 : i32
    return %add3A_0, %c0_i32 : i32, i32
  }
}

module attributes {stable_mosaic.version = 14 : i64} {
  func.func @_ro_body(%arg0: i32, %arg1: memref<2048x256xf32, #tpu.memory_space<vmem>>, %arg2: memref<2048x1xi32, #tpu.memory_space<vmem>>, %arg3: memref<128x128xf32, #tpu.memory_space<vmem>>, %arg4: memref<1x128xf32, #tpu.memory_space<vmem>>, %arg5: memref<128x128xf32, #tpu.memory_space<vmem>>, %arg6: memref<1x128xf32, #tpu.memory_space<vmem>>, %arg7: memref<128x128xf32, #tpu.memory_space<vmem>>, %arg8: memref<1x128xf32, #tpu.memory_space<vmem>>, %arg9: memref<128x128xf32, #tpu.memory_space<vmem>>, %arg10: memref<1x128xf32, #tpu.memory_space<vmem>>, %arg11: memref<128x1xf32, #tpu.memory_space<vmem>>, %arg12: memref<1x1xf32, #tpu.memory_space<vmem>>, %arg13: memref<16x1xf32, #tpu.memory_space<vmem>>, %arg14: memref<16x2xf32, #tpu.memory_space<vmem>>) attributes {dimension_semantics = [#tpu.dimension_semantics<arbitrary>], iteration_bounds = array<i64: 5>, scalar_prefetch = 0 : i64, scratch_operands = 1 : i64, tpu.core_type = #tpu.core_type<tc>, window_params = [{transform_indices = @transform_0, window_bounds = array<i64: 2048, 256>}, {transform_indices = @transform_1, window_bounds = array<i64: 2048, 1>}, {pipeline_mode = #tpu.pipeline_mode<synchronous>, transform_indices = @transform_2, window_bounds = array<i64: 128, 128>}, {pipeline_mode = #tpu.pipeline_mode<synchronous>, transform_indices = @transform_3, window_bounds = array<i64: 1, 128>}, {pipeline_mode = #tpu.pipeline_mode<synchronous>, transform_indices = @transform_4, window_bounds = array<i64: 128, 128>}, {pipeline_mode = #tpu.pipeline_mode<synchronous>, transform_indices = @transform_5, window_bounds = array<i64: 1, 128>}, {pipeline_mode = #tpu.pipeline_mode<synchronous>, transform_indices = @transform_6, window_bounds = array<i64: 128, 128>}, {pipeline_mode = #tpu.pipeline_mode<synchronous>, transform_indices = @transform_7, window_bounds = array<i64: 1, 128>}, {pipeline_mode = #tpu.pipeline_mode<synchronous>, transform_indices = @transform_8, window_bounds = array<i64: 128, 128>}, {pipeline_mode = #tpu.pipeline_mode<synchronous>, transform_indices = @transform_9, window_bounds = array<i64: 1, 128>}, {pipeline_mode = #tpu.pipeline_mode<synchronous>, transform_indices = @transform_10, window_bounds = array<i64: 128, 1>}, {pipeline_mode = #tpu.pipeline_mode<synchronous>, transform_indices = @transform_11, window_bounds = array<i64: 1, 1>}, {pipeline_mode = #tpu.pipeline_mode<synchronous>, transform_indices = @transform_12, window_bounds = array<i64: 16, 1>}]} {
    %get3A = arith.constant 0 : index
    %get3A_0 = arith.constant 0 : index
    %get3A_1 = vector.load %arg1[%get3A, %get3A_0] : memref<2048x256xf32, #tpu.memory_space<vmem>>, vector<2048x128xf32>
    %get3A_2 = arith.constant 0 : index
    %get3A_3 = arith.constant 0 : index
    %get3A_4 = vector.load %arg5[%get3A_2, %get3A_3] : memref<128x128xf32, #tpu.memory_space<vmem>>, vector<128x128xf32>
    %dot_general3A = arith.constant dense<0.000000e+00> : vector<2048x128xf32>
    %dot_general3A_5 = tpu.matmul %get3A_1, %get3A_4, %dot_general3A {dimension_numbers = #tpu.dot_dimension_numbers<[1], [0], [0], [1], [0, 0, 1, 1], [], []>, transpose_lhs_hint = false} : vector<2048x128xf32>, vector<128x128xf32>, vector<2048x128xf32> -> vector<2048x128xf32>
    %get3A_6 = arith.constant 0 : index
    %get3A_7 = arith.constant 0 : index
    %get3A_8 = vector.load %arg6[%get3A_6, %get3A_7] : memref<1x128xf32, #tpu.memory_space<vmem>>, vector<1x128xf32>
    %add3A = vector.broadcast %get3A_8 : vector<1x128xf32> to vector<2048x128xf32>
    %add3A_9 = arith.addf %dot_general3A_5, %add3A : vector<2048x128xf32>
    %logistic3A = arith.negf %add3A_9 : vector<2048x128xf32>
    %logistic3A_10 = math.exp %logistic3A : vector<2048x128xf32>
    %logistic3A_11 = arith.constant 1.000000e+00 : f32
    %logistic3A_12 = vector.broadcast %logistic3A_11 : f32 to vector<2048x128xf32>
    %logistic3A_13 = arith.addf %logistic3A_12, %logistic3A_10 : vector<2048x128xf32>
    %logistic3A_14 = arith.divf %logistic3A_12, %logistic3A_13 : vector<2048x128xf32>
    %get3A_15 = arith.constant 0 : index
    %get3A_16 = arith.constant 0 : index
    %get3A_17 = vector.load %arg3[%get3A_15, %get3A_16] : memref<128x128xf32, #tpu.memory_space<vmem>>, vector<128x128xf32>
    %dot_general3A_18 = arith.constant dense<0.000000e+00> : vector<2048x128xf32>
    %dot_general3A_19 = tpu.matmul %get3A_1, %get3A_17, %dot_general3A_18 {dimension_numbers = #tpu.dot_dimension_numbers<[1], [0], [0], [1], [0, 0, 1, 1], [], []>, transpose_lhs_hint = false} : vector<2048x128xf32>, vector<128x128xf32>, vector<2048x128xf32> -> vector<2048x128xf32>
    %get3A_20 = arith.constant 0 : index
    %get3A_21 = arith.constant 0 : index
    %get3A_22 = vector.load %arg4[%get3A_20, %get3A_21] : memref<1x128xf32, #tpu.memory_space<vmem>>, vector<1x128xf32>
    %add3A_23 = vector.broadcast %get3A_22 : vector<1x128xf32> to vector<2048x128xf32>
    %add3A_24 = arith.addf %dot_general3A_19, %add3A_23 : vector<2048x128xf32>
    %mul3A = arith.mulf %add3A_24, %logistic3A_14 : vector<2048x128xf32>
    %logistic3A_25 = arith.negf %mul3A : vector<2048x128xf32>
    %logistic3A_26 = math.exp %logistic3A_25 : vector<2048x128xf32>
    %logistic3A_27 = arith.constant 1.000000e+00 : f32
    %logistic3A_28 = vector.broadcast %logistic3A_27 : f32 to vector<2048x128xf32>
    %logistic3A_29 = arith.addf %logistic3A_28, %logistic3A_26 : vector<2048x128xf32>
    %logistic3A_30 = arith.divf %logistic3A_28, %logistic3A_29 : vector<2048x128xf32>
    %mul3A_31 = arith.mulf %mul3A, %logistic3A_30 : vector<2048x128xf32>
    %get3A_32 = arith.constant 0 : index
    %get3A_33 = arith.constant 0 : index
    %get3A_34 = vector.load %arg9[%get3A_32, %get3A_33] : memref<128x128xf32, #tpu.memory_space<vmem>>, vector<128x128xf32>
    %dot_general3A_35 = arith.constant dense<0.000000e+00> : vector<2048x128xf32>
    %dot_general3A_36 = tpu.matmul %mul3A_31, %get3A_34, %dot_general3A_35 {dimension_numbers = #tpu.dot_dimension_numbers<[1], [0], [0], [1], [0, 0, 1, 1], [], []>, transpose_lhs_hint = false} : vector<2048x128xf32>, vector<128x128xf32>, vector<2048x128xf32> -> vector<2048x128xf32>
    %get3A_37 = arith.constant 0 : index
    %get3A_38 = arith.constant 0 : index
    %get3A_39 = vector.load %arg10[%get3A_37, %get3A_38] : memref<1x128xf32, #tpu.memory_space<vmem>>, vector<1x128xf32>
    %add3A_40 = vector.broadcast %get3A_39 : vector<1x128xf32> to vector<2048x128xf32>
    %add3A_41 = arith.addf %dot_general3A_36, %add3A_40 : vector<2048x128xf32>
    %logistic3A_42 = arith.negf %add3A_41 : vector<2048x128xf32>
    %logistic3A_43 = math.exp %logistic3A_42 : vector<2048x128xf32>
    %logistic3A_44 = arith.constant 1.000000e+00 : f32
    %logistic3A_45 = vector.broadcast %logistic3A_44 : f32 to vector<2048x128xf32>
    %logistic3A_46 = arith.addf %logistic3A_45, %logistic3A_43 : vector<2048x128xf32>
    %logistic3A_47 = arith.divf %logistic3A_45, %logistic3A_46 : vector<2048x128xf32>
    %get3A_48 = arith.constant 0 : index
    %get3A_49 = arith.constant 0 : index
    %get3A_50 = vector.load %arg7[%get3A_48, %get3A_49] : memref<128x128xf32, #tpu.memory_space<vmem>>, vector<128x128xf32>
    %dot_general3A_51 = arith.constant dense<0.000000e+00> : vector<2048x128xf32>
    %dot_general3A_52 = tpu.matmul %mul3A_31, %get3A_50, %dot_general3A_51 {dimension_numbers = #tpu.dot_dimension_numbers<[1], [0], [0], [1], [0, 0, 1, 1], [], []>, transpose_lhs_hint = false} : vector<2048x128xf32>, vector<128x128xf32>, vector<2048x128xf32> -> vector<2048x128xf32>
    %get3A_53 = arith.constant 0 : index
    %get3A_54 = arith.constant 0 : index
    %get3A_55 = vector.load %arg8[%get3A_53, %get3A_54] : memref<1x128xf32, #tpu.memory_space<vmem>>, vector<1x128xf32>
    %add3A_56 = vector.broadcast %get3A_55 : vector<1x128xf32> to vector<2048x128xf32>
    %add3A_57 = arith.addf %dot_general3A_52, %add3A_56 : vector<2048x128xf32>
    %mul3A_58 = arith.mulf %add3A_57, %logistic3A_47 : vector<2048x128xf32>
    %logistic3A_59 = arith.negf %mul3A_58 : vector<2048x128xf32>
    %logistic3A_60 = math.exp %logistic3A_59 : vector<2048x128xf32>
    %logistic3A_61 = arith.constant 1.000000e+00 : f32
    %logistic3A_62 = vector.broadcast %logistic3A_61 : f32 to vector<2048x128xf32>
    %logistic3A_63 = arith.addf %logistic3A_62, %logistic3A_60 : vector<2048x128xf32>
    %logistic3A_64 = arith.divf %logistic3A_62, %logistic3A_63 : vector<2048x128xf32>
    %mul3A_65 = arith.mulf %mul3A_58, %logistic3A_64 : vector<2048x128xf32>
    %get3A_66 = arith.constant 0 : index
    %get3A_67 = arith.constant 0 : index
    %get3A_68 = vector.load %arg11[%get3A_66, %get3A_67] : memref<128x1xf32, #tpu.memory_space<vmem>>, vector<128x1xf32>
    %dot_general3A_69 = arith.constant dense<0.000000e+00> : vector<2048x1xf32>
    %dot_general3A_70 = tpu.matmul %mul3A_65, %get3A_68, %dot_general3A_69 {dimension_numbers = #tpu.dot_dimension_numbers<[1], [0], [0], [1], [0, 0, 1, 1], [], []>, transpose_lhs_hint = false} : vector<2048x128xf32>, vector<128x1xf32>, vector<2048x1xf32> -> vector<2048x1xf32>
    %get3A_71 = arith.constant 0 : index
    %get3A_72 = arith.constant 0 : index
    %get3A_73 = vector.load %arg12[%get3A_71, %get3A_72] : memref<1x1xf32, #tpu.memory_space<vmem>>, vector<1x1xf32>
    %add3A_74 = vector.broadcast %get3A_73 : vector<1x1xf32> to vector<2048x1xf32>
    %add3A_75 = arith.addf %dot_general3A_70, %add3A_74 : vector<2048x1xf32>
    %get3A_76 = arith.constant 0 : index
    %get3A_77 = arith.constant 0 : index
    %get3A_78 = vector.load %arg2[%get3A_76, %get3A_77] : memref<2048x1xi32, #tpu.memory_space<vmem>>, vector<2048x1xi32>
    %iota3A = tpu.iota {dimensions = array<i32: 1>} : vector<2048x16xi32>
    %eq3A = vector.broadcast %get3A_78 : vector<2048x1xi32> to vector<2048x16xi32>
    %eq3A_79 = arith.cmpi eq, %eq3A, %iota3A : vector<2048x16xi32>
    %convert_element_type3A = arith.extui %eq3A_79 : vector<2048x16xi1> to vector<2048x16xi32>
    %convert_element_type3A_80 = arith.sitofp %convert_element_type3A : vector<2048x16xi32> to vector<2048x16xf32>
    %broadcast_in_dim3A = arith.constant 1.000000e+00 : f32
    %broadcast_in_dim3A_81 = vector.broadcast %broadcast_in_dim3A : f32 to vector<2048x1xf32>
    %concatenate3A = tpu.concatenate %add3A_75, %broadcast_in_dim3A_81 in 1 : vector<2048x1xf32>, vector<2048x1xf32> -> vector<2048x2xf32>
    %dot_general3A_82 = arith.constant dense<0.000000e+00> : vector<16x2xf32>
    %dot_general3A_83 = tpu.matmul %convert_element_type3A_80, %concatenate3A, %dot_general3A_82 {dimension_numbers = #tpu.dot_dimension_numbers<[0], [0], [1], [1], [0, 1, 1, 1], [], []>, transpose_lhs_hint = false} : vector<2048x16xf32>, vector<2048x2xf32>, vector<16x2xf32> -> vector<16x2xf32>
    %eq3A_84 = arith.constant 0 : i32
    %eq3A_85 = arith.cmpi eq, %arg0, %eq3A_84 : i32
    %convert_element_type3A_86 = arith.extui %eq3A_85 : i1 to i32
    %cond3A = arith.constant 0 : i32
    %cond3A_87 = arith.cmpi ne, %convert_element_type3A_86, %cond3A : i32
    scf.if %cond3A_87 {
      %broadcast_in_dim3A_99 = arith.constant 0.000000e+00 : f32
      %broadcast_in_dim3A_100 = vector.broadcast %broadcast_in_dim3A_99 : f32 to vector<16x2xf32>
      %swap3A_101 = arith.constant 0 : index
      %swap3A_102 = arith.constant 0 : index
      %swap3A_103 = vector.load %arg14[%swap3A_101, %swap3A_102] : memref<16x2xf32, #tpu.memory_space<vmem>>, vector<16x2xf32>
      tpu.vector_store %arg14[%swap3A_101, %swap3A_102], %broadcast_in_dim3A_100 {strides = array<i32>} : memref<16x2xf32, #tpu.memory_space<vmem>>, vector<16x2xf32>,
    } else {
    }
    %get3A_88 = arith.constant 0 : index
    %get3A_89 = arith.constant 0 : index
    %get3A_90 = vector.load %arg14[%get3A_88, %get3A_89] : memref<16x2xf32, #tpu.memory_space<vmem>>, vector<16x2xf32>
    %add3A_91 = arith.addf %get3A_90, %dot_general3A_83 : vector<16x2xf32>
    %swap3A = arith.constant 0 : index
    %swap3A_92 = arith.constant 0 : index
    %swap3A_93 = vector.load %arg14[%swap3A, %swap3A_92] : memref<16x2xf32, #tpu.memory_space<vmem>>, vector<16x2xf32>
    tpu.vector_store %arg14[%swap3A, %swap3A_92], %add3A_91 {strides = array<i32>} : memref<16x2xf32, #tpu.memory_space<vmem>>, vector<16x2xf32>,
    %eq3A_94 = arith.constant 4 : i32
    %eq3A_95 = arith.cmpi eq, %arg0, %eq3A_94 : i32
    %convert_element_type3A_96 = arith.extui %eq3A_95 : i1 to i32
    %cond3A_97 = arith.constant 0 : i32
    %cond3A_98 = arith.cmpi ne, %convert_element_type3A_96, %cond3A_97 : i32
    scf.if %cond3A_98 {
      %get3A_99 = arith.constant 0 : index
      %get3A_100 = arith.constant 0 : index
      %get3A_101 = vector.load %arg14[%get3A_99, %get3A_100] : memref<16x2xf32, #tpu.memory_space<vmem>>, vector<16x2xf32>
      %slice3A = vector.extract_strided_slice %get3A_101 {offsets = [0, 0], sizes = [16, 1], strides = [1, 1]} : vector<16x2xf32> to vector<16x1xf32>
      %slice3A_102 = vector.extract_strided_slice %get3A_101 {offsets = [0, 1], sizes = [16, 1], strides = [1, 1]} : vector<16x2xf32> to vector<16x1xf32>
      %max3A = arith.constant 1.000000e+00 : f32
      %max3A_103 = vector.broadcast %max3A : f32 to vector<16x1xf32>
      %max3A_104 = arith.maximumf %slice3A_102, %max3A_103 : vector<16x1xf32>
      %div3A = arith.divf %slice3A, %max3A_104 : vector<16x1xf32>
      %swap3A_105 = arith.constant 0 : index
      %swap3A_106 = arith.constant 0 : index
      %swap3A_107 = vector.load %arg13[%swap3A_105, %swap3A_106] : memref<16x1xf32, #tpu.memory_space<vmem>>, vector<16x1xf32>
      tpu.vector_store %arg13[%swap3A_105, %swap3A_106], %div3A {strides = array<i32>} : memref<16x1xf32, #tpu.memory_space<vmem>>, vector<16x1xf32>,
    } else {
    }
    return
  }
  func.func @transform_0(%arg0: i32) -> (i32, i32) {
    %c0_i32 = arith.constant 0 : i32
    %c0_i32_0 = arith.constant 0 : i32
    return %arg0, %c0_i32 : i32, i32
  }
  func.func @transform_1(%arg0: i32) -> (i32, i32) {
    %c0_i32 = arith.constant 0 : i32
    %c0_i32_0 = arith.constant 0 : i32
    return %arg0, %c0_i32 : i32, i32
  }
  func.func @transform_2(%arg0: i32) -> (i32, i32) {
    %c0_i32 = arith.constant 0 : i32
    %c0_i32_0 = arith.constant 0 : i32
    %c0_i32_1 = arith.constant 0 : i32
    return %c0_i32, %c0_i32_0 : i32, i32
  }
  func.func @transform_3(%arg0: i32) -> (i32, i32) {
    %c0_i32 = arith.constant 0 : i32
    %c0_i32_0 = arith.constant 0 : i32
    %c0_i32_1 = arith.constant 0 : i32
    return %c0_i32, %c0_i32_0 : i32, i32
  }
  func.func @transform_4(%arg0: i32) -> (i32, i32) {
    %c0_i32 = arith.constant 0 : i32
    %c0_i32_0 = arith.constant 0 : i32
    %c0_i32_1 = arith.constant 0 : i32
    return %c0_i32, %c0_i32_0 : i32, i32
  }
  func.func @transform_5(%arg0: i32) -> (i32, i32) {
    %c0_i32 = arith.constant 0 : i32
    %c0_i32_0 = arith.constant 0 : i32
    %c0_i32_1 = arith.constant 0 : i32
    return %c0_i32, %c0_i32_0 : i32, i32
  }
  func.func @transform_6(%arg0: i32) -> (i32, i32) {
    %c0_i32 = arith.constant 0 : i32
    %c0_i32_0 = arith.constant 0 : i32
    %c0_i32_1 = arith.constant 0 : i32
    return %c0_i32, %c0_i32_0 : i32, i32
  }
  func.func @transform_7(%arg0: i32) -> (i32, i32) {
    %c0_i32 = arith.constant 0 : i32
    %c0_i32_0 = arith.constant 0 : i32
    %c0_i32_1 = arith.constant 0 : i32
    return %c0_i32, %c0_i32_0 : i32, i32
  }
  func.func @transform_8(%arg0: i32) -> (i32, i32) {
    %c0_i32 = arith.constant 0 : i32
    %c0_i32_0 = arith.constant 0 : i32
    %c0_i32_1 = arith.constant 0 : i32
    return %c0_i32, %c0_i32_0 : i32, i32
  }
  func.func @transform_9(%arg0: i32) -> (i32, i32) {
    %c0_i32 = arith.constant 0 : i32
    %c0_i32_0 = arith.constant 0 : i32
    %c0_i32_1 = arith.constant 0 : i32
    return %c0_i32, %c0_i32_0 : i32, i32
  }
  func.func @transform_10(%arg0: i32) -> (i32, i32) {
    %c0_i32 = arith.constant 0 : i32
    %c0_i32_0 = arith.constant 0 : i32
    %c0_i32_1 = arith.constant 0 : i32
    return %c0_i32, %c0_i32_0 : i32, i32
  }
  func.func @transform_11(%arg0: i32) -> (i32, i32) {
    %c0_i32 = arith.constant 0 : i32
    %c0_i32_0 = arith.constant 0 : i32
    %c0_i32_1 = arith.constant 0 : i32
    return %c0_i32, %c0_i32_0 : i32, i32
  }
  func.func @transform_12(%arg0: i32) -> (i32, i32) {
    %c0_i32 = arith.constant 0 : i32
    %c0_i32_0 = arith.constant 0 : i32
    %c0_i32_1 = arith.constant 0 : i32
    return %c0_i32, %c0_i32_0 : i32, i32
  }
}

</mosaic_0001>

<sc_bundles>
// kernel: kernel.12.cloned.1.call-start
scs
__scs_entry_jumppad:
0x0: {  	(pc) =	sbr.rel $0x88, $3  }
0x1: {  	(tag) =	ssettag $0x0;
	lr =	simm.s32 $0x1  }
0x2: {  	[smem:$0x3F74] =	sst lr;
	_ =	strace $0xD0000000  }
0x3: {  	_ = 	snop  }
0x4: {  	_ = 	snop  }
0x5: {  	_ = 	snop  }
0x6: {  	_ = 	snop  }
0x7: {  	_ = 	snop  }
__scs_overlays_trampoline_lowered:
0x8: {  	[smem:$0x3F83] =	sst s0  }
0x9: {  	[smem:$0x3F84] =	sst s1  }
0xa: {  	[smem:$0x3F85] =	sst s2  }
0xb: {  	[smem:$0x3F86] =	sst s3  }
0xc: {  	[smem:$0x3F87] =	sst s4  }
0xd: {  	[smem:$0x3F88] =	sst s5  }
0xe: {  	[smem:$0x3F89] =	sst s6  }
0xf: {  	[smem:$0x3F8A] =	sst s7  }
0x10: {  	[smem:$0x3F8B] =	sst s8  }
0x11: {  	[smem:$0x3F8C] =	sst s9;
	s0 =	simm.s32 @!p0 $0x0  }
0x12: {  	s1 =	sld [smem:$0x3F72];
	s0 =	simm.s32 @p0 $0x1  }
0x13: {  	[smem:$0x3F8D] =	sst s0;
	s0 =	simm.s32 @!p1 $0x0  }
0x14: {  	s2 =	sld [smem:$0x3F71];
	s0 =	simm.s32 @p1 $0x1  }
0x15: {  	[smem:$0x3F8E] =	sst s0;
	s0 =	simm.s32 @!p2 $0x0  }
0x16: {  	s3 =	sld [smem:$0x3FDB];
	s0 =	simm.s32 @p2 $0x1  }
0x17: {  	s4 =	simm.s32 $0x1BF5;
	[smem:$0x3F90] =	sst s0  }
0x18: {  	s0 =	sld [smem:$0x3F73];
	_ =	swait.ge [sflag:s4], $0x0  }
0x19: {  	s7 =	sld [smem:$0x3F74]  }
0x1a: {  	s8 =	sadd.s32 $0xFFFFE003, lr  }
0x1b: {  	s9 =	sadd.s32 $0xFFFFFEF7, lr;
	s5 =	simm.s32 $0xFFFFFFFF;
	p2 =	slt.u32 s8, $0xFFFFF086  }
0x1c: {  	p1 =	slt.u32 s9, $0xF7A;
	s5 =	simm.s32 @!p2 $0x0  }
0x1d: {  	s5 =	simm.s32 @p1 $0x1;
	p0 =	seq.s32 s7, s2  }
0x1e: {  	s7 =	smul.u32 @!p0 $0xF7A, s2;
	p2 =	seq.s32 @!p0 s5, $0x0  }
0x1f: {  	s9 =	smul.u32 $0xF7A, s1;
	s8 =	simm.s32 @!p0 $0x1BF5;
	p2 =	por !p2, p0  }
0x20: {  	[sflag:s8] =	ssyncset.s32 @!p0 $0xFFFFF086;
	s6 =	sadd.s32 @!p0 s3, s7;
	s7 =	simm.s32 @!p0 $0x108  }
0x21: {  	s3 =	sadd.s32 s3, s9;
	s6 =	sadd.s32 @!p0 $0x88, s6;
	s7 =	simm.s32 @p2 $0x1082  }
0x22: {  	[simem:s7], [sflag:s8] =	dma.local @!p0 [hbm:s6], $0xF7A  }
0x23: {  	s9 =	sor.u32 $0xD0000000, s2;
	s6 =	simm.s32 $0x108;
	_ =	swait.ge @!p0 [sflag:s8], $0x0  }
0x24: {  	s3 =	sadd.s32 $0x88, s3;
	s6 =	simm.s32 @!p1 $0x1082;
	[sflag:s4] =	ssyncset.s32 $0xFFFFF086  }
0x25: {  	[simem:s6], [sflag:s4] =	dma.local [hbm:s3], $0xF7A  }
0x26: {  	[smem:$0x3F74] =	sst s1;
	(tag) =	ssettag s2;
	_ =	strace s9  }
0x27: {  	s1 =	sld [smem:$0x3F84]  }
0x28: {  	s2 =	sld [smem:$0x3F85]  }
0x29: {  	s4 =	sld [smem:$0x3F87]  }
0x2a: {  	p0 =	seq.s32 s5, $0x0;
	s5 =	sld [smem:$0x3F88]  }
0x2b: {  	s6 =	sld [smem:$0x3F89]  }
0x2c: {  	s7 =	sld [smem:$0x3F8A]  }
0x2d: {  	s3 =	simm.s32 $0x108;
	s8 =	sld [smem:$0x3F8B]  }
0x2e: {  	s3 =	simm.s32 @!p0 $0x1082;
	s9 =	sld [smem:$0x3F8C]  }
0x2f: {  	lr =	sadd.s32 s0, s3;
	s0 =	sld [smem:$0x3F83]  }
0x30: {  	s3 =	sld [smem:$0x3F86]  }
0x31: {  	[smem:$0x3F8F] =	sst s10  }
0x32: {  	s10 =	sld [smem:$0x3F8D];
	_ =	sdelay $0x3  }
0x33: {  	p0 =	seq.s32 s10, $0x1;
	s10 =	sld [smem:$0x3F8F];
	_ =	sdelay $0x3  }
0x34: {  	[smem:$0x3F8F] =	sst s10  }
0x35: {  	s10 =	sld [smem:$0x3F8E];
	_ =	sdelay $0x3  }
0x36: {  	p1 =	seq.s32 s10, $0x1;
	s10 =	sld [smem:$0x3F8F];
	_ =	sdelay $0x3  }
0x37: {  	[smem:$0x3F8F] =	sst s10  }
0x38: {  	s10 =	sld [smem:$0x3F90]  }
0x39: {  	_ = 	snop;
	(pc) =	sbr.ind lr, $3  }
0x3a: {  	_ = 	snop  }
0x3b: {  	_ = 	snop  }
0x3c: {  	p2 =	seq.s32 s10, $0x1;
	s10 =	sld [smem:$0x3F8F]  }
0x3d: {  	_ =	shalt  }
0x3e: {  	_ =	shalt  }
0x3f: {  	_ =	shalt  }
0x40: {  	_ =	shalt  }
0x41: {  	_ =	shalt  }
0x42: {  	_ =	shalt  }
0x43: {  	_ =	shalt  }
0x44: {  	_ =	shalt  }
0x45: {  	_ =	shalt  }
0x46: {  	_ =	shalt  }
0x47: {  	_ =	shalt  }
0x48: {  	_ =	shalt  }
0x49: {  	_ =	shalt  }
0x4a: {  	_ =	shalt  }
0x4b: {  	_ =	shalt  }
0x4c: {  	_ =	shalt  }
0x4d: {  	_ =	shalt  }
0x4e: {  	_ =	shalt  }
0x4f: {  	_ =	shalt  }
0x50: {  	_ =	shalt  }
0x51: {  	_ =	shalt  }
0x52: {  	_ =	shalt  }
0x53: {  	_ =	shalt  }
0x54: {  	_ =	shalt  }
0x55: {  	_ =	shalt  }
0x56: {  	_ =	shalt  }
0x57: {  	_ =	shalt  }
0x58: {  	_ =	shalt  }
0x59: {  	_ =	shalt  }
0x5a: {  	_ =	shalt  }
0x5b: {  	_ =	shalt  }
0x5c: {  	_ =	shalt  }
0x5d: {  	_ =	shalt  }
0x5e: {  	_ =	shalt  }
0x5f: {  	_ =	shalt  }
0x60: {  	_ =	shalt  }
0x61: {  	_ =	shalt  }
0x62: {  	_ =	shalt  }
0x63: {  	_ =	shalt  }
0x64: {  	_ =	shalt  }
0x65: {  	_ =	shalt  }
0x66: {  	_ =	shalt  }
0x67: {  	_ =	shalt  }
0x68: {  	_ =	shalt  }
0x69: {  	_ =	shalt  }
0x6a: {  	_ =	shalt  }
0x6b: {  	_ =	shalt  }
0x6c: {  	_ =	shalt  }
0x6d: {  	_ =	shalt  }
0x6e: {  	_ =	shalt  }
0x6f: {  	_ =	shalt  }
0x70: {  	_ =	shalt  }
0x71: {  	_ =	shalt  }
0x72: {  	_ =	shalt  }
0x73: {  	_ =	shalt  }
0x74: {  	_ =	shalt  }
0x75: {  	_ =	shalt  }
0x76: {  	_ =	shalt  }
0x77: {  	_ =	shalt  }
0x78: {  	_ =	shalt  }
0x79: {  	_ =	shalt  }
0x7a: {  	_ =	shalt  }
0x7b: {  	_ =	shalt  }
0x7c: {  	_ =	shalt  }
0x7d: {  	_ =	shalt  }
0x7e: {  	_ =	shalt  }
0x7f: {  	_ =	shalt  }
0x80: {  	_ =	shalt  }
0x81: {  	_ =	shalt  }
0x82: {  	_ =	shalt  }
0x83: {  	_ =	shalt  }
0x84: {  	_ =	shalt  }
0x85: {  	_ =	shalt  }
0x86: {  	_ =	shalt  }
0x87: {  	_ =	shalt  }
.Lfunc_end0:
.L_simem_size_0:
called_computation_lowered:
.L_overlay_start_0:
0x88: {  	s2 =	sld [smem:$0x3FD9]  }
0x89: {  	s3 =	sld [smem:$0x3FFE];
	_ =	sdelay $0x1  }
0x8a: {  	s1 =	srdreg.scid  }
0x8b: {  	s0 =	sand.u32 $0x1, s1  }
0x8c: {  	s16 =	sshll.u32 s0, $0xA;
	s2 =	sadd.s32 s3, s2  }
0x8d: {  	s2 =	sadd.s32 s2, s16  }
0x8e: {  	[smem:$0x3F9B] =	sst s2  }
0x8f: {  	_ = 	snop  }
0x90: {  	(tm) =	ssettm $0x1  }
0x91: {  	s17 =	sld [smem:$0x3FFB];
	_ =	sdelay $0x3  }
0x92: {  	_ =	strace s17  }
0x93: {  	s2 =	sld [smem:$0x3FFC];
	_ =	sdelay $0x3  }
0x94: {  	_ =	strace s2  }
0x95: {  	s2 =	sld [smem:$0x3FFD];
	_ =	sdelay $0x3  }
0x96: {  	_ =	strace s2  }
0x97: {  	_ =	strace $0x8FFFFFFF  }
0x98: {  	s18 =	sld [smem:$0x3FDB];
	_ =	sdelay $0x1  }
0x99: {  	s19 =	simm.s32 $_scs_section_size  }
0x9a: {  	s4 =	simm.s32 $_size__tile_overlayer_lowered;
	s5 =	simm.s32 $_tile_overlayer_lowered  }
0x9b: {  	s22 =	simm.s32 $0x1BFF;
	s21 =	sshll.u32 s5, $0x1;
	s2 =	sadd.s32 s19, s18  }
0x9c: {  	s6 =	simm.s32 $0x0;
	s20 =	sshll.u32 s4, $0x1;
	s4 =	sadd.s32 s21, s2  }
0x9d: {  	[timem:s6], [sflag:s22] =	dma.local [hbm:s4], s20  }
0x9e: {  	_ =	swait.ge [sflag:s22], s20  }
0x9f: {  	s3 =	ssub.s32 $0x0, s20;
	[sflag:s22] =	ssyncset.done $0x0  }
0xa0: {  	[sflag:s22] =	ssyncadd.s32 s3;
	_ =	sdelay $0x1  }
0xa1: {  	s23 =	simm.s32 $0x1B8B  }
0xa2: {  	_ =	swait.ge [sflag:s23], $0x1  }
0xa3: {  	[sflag:s23] =	ssyncset.done $0x0  }
0xa4: {  	s25 =	simm.s32 $0x1B8E;
	s24 =	sld [smem:$0x3FFE];
	[sflag:s23] =	ssyncadd.s32 $0xFFFFFFFF  }
0xa5: {  	s26 =	simm.s32 $execute0_lowered;
	[smem:$0x3FD2] =	sst s25  }
0xa6: {  	s4 =	sshll.u32 s26, $0x1;
	_ =	strace $0x80000046;
	[dreg:$0x1] =	wrdreg $0xFFFFFFFF  }
0xa7: {  	s28 =	simm.s32 $_size_execute0_lowered;
	s2 =	sadd.s32 s2, s4;
	[dreg:$0x0] =	wrdreg $0x0  }
0xa8: {  	s4 =	sshll.u32 s28, $0x1;
	[dreg:$0x2] =	wrdreg s2  }
0xa9: {  	[dreg:$0x3] =	wrdreg s4  }
0xaa: {  	[dreg:$0x4] =	wrdreg $0xC0  }
0xab: {  	_ =	task [dreg:s6], $0x5FFFF  }
0xac: {  	[dreg:$0x1] =	wrdreg $0xFFFFFFFF  }
0xad: {  	[dreg:$0x0] =	wrdreg $0x60  }
0xae: {  	[dreg:$0x2] =	wrdreg s24  }
0xaf: {  	[dreg:$0x3] =	wrdreg $0x9  }
0xb0: {  	_ =	task.clear_ibuf [dreg:s6], $0x4FFFF;
	_ =	strace $0x90000046  }
0xb1: {  	s29 =	simm.s32 $0x9;
	_ =	strace $0x80000048  }
0xb2: {  	_ =	swait.ge [sflag:s29], $0x1  }
0xb3: {  	[sflag:s29] =	ssyncadd.s32 $0xFFFFFFFF  }
0xb4: {  	_ =	strace $0x90000048  }
0xb5: {  	_ =	sfence  }
0xb6: {  	s30 =	sld [smem:$0x0];
	_ =	sdelay $0x2  }
0xb7: {  	s31 =	sshll.u32 s1, $0xD;
	s1 =	sshrl.u32 s1, $0x2  }
0xb8: {  	s3 =	sand.u32 $0x4000, s31;
	s1 =	sadd.s32 s1, s30  }
0xb9: {  	s0 =	sor.u32 s3, s0;
	s1 =	sshll.u32 s1, $0x11  }
0xba: {  	s0 =	sor.u32 s1, s0  }
0xbb: {  	s0 =	sadd.s32 $0x8F2B, s0  }
0xbc: {  	[sflag:s0] =	ssyncadd.remote.s32 $0x1  }
0xbd: {  	_ =	sfence.sel $0xFFFF  }
0xbe: {  	[dreg:$0x0] =	wrdreg $0xFFFFFFFF;
	(pc) =	sbr.abs _section_cstart, $3  }
0xbf: {  	[dreg:$0x1] =	wrdreg $0xFFFFFFFF  }
0xc0: {  	_ =	task.clear_ibuf [dreg:s6], $0x2FFFF;
	_ =	strace $0x9FFFFFFF  }
0xc1: {  	(tm) =	ssettm $0x7FFFFFFF  }
tec
execute0_lowered:
.L_overlay_start_1:
0x0: {  	(tag) =	ssettag $0x1  }
0x1: {  	s1 =	srdreg.scid  }
0x2: {  	s0 =	stileid.u32;
	s4 =	rddreg [dreg:$0x0]  }
0x3: {  	s2 =	simm.s32 $0x0;
	s9 =	simm.s32 $0x5800;
	s10 =	simm.s32 $0x6000  }
0x4: {  	s11 =	simm.s32 $0x6800;
	s12 =	simm.s32 $0x7000;
	s13 =	simm.s32 $0x7800  }
0x5: {  	s14 =	simm.s32 $0x8000;
	s15 =	simm.s32 $0x8800;
	s16 =	simm.s32 $0x9000  }
0x6: {  	s17 =	simm.s32 $0x9800;
	s18 =	simm.s32 $0xA000;
	s19 =	simm.s32 $0xA800  }
0x7: {  	s20 =	simm.s32 $0xB000;
	s21 =	simm.s32 $0xB800;
	s22 =	simm.s32 $0xC000  }
0x8: {  	s23 =	simm.s32 $0xC800;
	s24 =	simm.s32 $0x1;
	s25 =	simm.s32 $0x0  }
0x9: {  	s5 =	sand.u32 $0x1, s1;
	s3 =	sshll.u32 s0, $0x1;
	s1 =	rddreg [dreg:$0x1]  }
0xa: {  	[smem:$0x7FF] =	sst s2;
	s7 =	smul.u32 $0x13C000, s0;
	s3 =	sor.u32 s5, s3  }
0xb: {  	_ =	strace $0x80000047;
	s8 =	ssub.s32 $0x2, s5;
	s5 =	smul.u32 $0x9E000, s5  }
0xc: {  	s6 =	smul.u32 $0xA00, s3;
	s7 =	sadd.s32 s7, s4;
	s30 =	sshrl.u32 s8, $0x1  }
0xd: {  	v2 =	vlaneseq.u32;
	s3 =	sadd.s32 $0x25000, s4;
	s8 =	ssub.s32 s8, s30;
	s31 =	sadd.s32 s5, s7  }
0xe: {  	vm0 =	vmmov $0xffff;
	v1 =	vshrl.u32 v2, $0x3;
	s7 =	simm.s32 $0x2;
	s6 =	sadd.s32 s6, s4;
	s5 =	smax.u32 s8, $0x1  }
0xf: {  	v0 =	vand.u32 $0x7, v2;
	v2 =	vor.u32 $0x8, v2;
	v1 =	vmul.u32 $0x8, v1;
	s8 =	simm.s32 $0x5000;
	s4 =	sadd.s32 $0x11000, s6;
	s6 =	sadd.s32 $0x75000, s31  }
.LBB2_1:
0x10: {  	[tilespmem:s2], [sflag:$0x2] =	stream.linear.gather [hbm4b:s4+s2], $0x4F00, $0x38;
	[tilespmem:$0xD000] =	vst v63  }
0x11: {  	_ =	swait.ge [sflag:s7], $0x4F00  }
0x12: {  	[sflag:s7] =	ssyncset.done $0x0  }
0x13: {  	s26 =	simm.s32 $0x40;
	s28 =	simm.s32 $0x0;
	[sflag:s7] =	ssyncadd.s32 $0xFFFFB100  }
.LBB2_2:
0x14: {  	v3 =	vld [tilespmem:s26+$0xFFFFFFC0];
	_ =	sdelay $0x4  }
0x15: {  	v4 =	vshll.u32 v3, $0x1  }
0x16: {  	v3 =	vand.u32 $0x7, v3;
	v4 =	vand.u32 $0xFFFFFFF0, v4  }
0x17: {  	v3 =	vor.u32 v3, v4  }
0x18: {  	v4 =	vperm.xlane v3, v0;
	_ =	sdelay $0x1  }
0x19: {  	v3 =	vperm.xlane v3, v2;
	v4 =	vadd.s32 v1, v4;
	_ =	sdelay $0x1  }
0x1a: {  	v3 =	vadd.s32 v1, v3;
	_ =	sdelay $0x2  }
0x1b: {  	[tilespmem:s8], [sflag:$0x1] =	stream.indirect_vreg.gather [hbm4b:s3+s2], $0x80, v4, vm0, $0xb8;
	[tilespmem:$0xD000] =	vst v63  }
0x1c: {  	_ = 	snop  }
0x1d: {  	[tilespmem:s9], [sflag:$0x1] =	stream.indirect_vreg.gather [hbm4b:s3+s2], $0x80, v3, vm0, $0xb8;
	[tilespmem:$0xD000] =	vst v63  }
0x1e: {  	v3 =	vld [tilespmem:s26+$0xFFFFFFD0];
	_ =	sdelay $0x4  }
0x1f: {  	v57 =	vshll.u32 v3, $0x1  }
0x20: {  	v3 =	vand.u32 $0x7, v3;
	v4 =	vand.u32 $0xFFFFFFF0, v57  }
0x21: {  	v3 =	vor.u32 v3, v4  }
0x22: {  	v4 =	vperm.xlane v3, v0;
	_ =	sdelay $0x1  }
0x23: {  	v3 =	vperm.xlane v3, v2;
	v4 =	vadd.s32 v1, v4;
	_ =	sdelay $0x1  }
0x24: {  	v3 =	vadd.s32 v1, v3;
	_ =	sdelay $0x2  }
0x25: {  	[tilespmem:s10], [sflag:$0x1] =	stream.indirect_vreg.gather [hbm4b:s3+s2], $0x80, v4, vm0, $0xb8;
	[tilespmem:$0xD000] =	vst v63  }
0x26: {  	_ = 	snop  }
0x27: {  	[tilespmem:s11], [sflag:$0x1] =	stream.indirect_vreg.gather [hbm4b:s3+s2], $0x80, v3, vm0, $0xb8;
	[tilespmem:$0xD000] =	vst v63  }
0x28: {  	v3 =	vld [tilespmem:s26+$0xFFFFFFE0];
	_ =	sdelay $0x4  }
0x29: {  	v58 =	vshll.u32 v3, $0x1  }
0x2a: {  	v3 =	vand.u32 $0x7, v3;
	v4 =	vand.u32 $0xFFFFFFF0, v58  }
0x2b: {  	v3 =	vor.u32 v3, v4  }
0x2c: {  	v4 =	vperm.xlane v3, v0;
	_ =	sdelay $0x1  }
0x2d: {  	v3 =	vperm.xlane v3, v2;
	v4 =	vadd.s32 v1, v4;
	_ =	sdelay $0x1  }
0x2e: {  	v3 =	vadd.s32 v1, v3;
	_ =	sdelay $0x2  }
0x2f: {  	[tilespmem:s12], [sflag:$0x1] =	stream.indirect_vreg.gather [hbm4b:s3+s2], $0x80, v4, vm0, $0xb8;
	[tilespmem:$0xD000] =	vst v63  }
0x30: {  	_ = 	snop  }
0x31: {  	[tilespmem:s13], [sflag:$0x1] =	stream.indirect_vreg.gather [hbm4b:s3+s2], $0x80, v3, vm0, $0xb8;
	[tilespmem:$0xD000] =	vst v63  }
0x32: {  	v3 =	vld [tilespmem:s26+$0xFFFFFFF0];
	_ =	sdelay $0x4  }
0x33: {  	v59 =	vshll.u32 v3, $0x1  }
0x34: {  	v3 =	vand.u32 $0x7, v3;
	v4 =	vand.u32 $0xFFFFFFF0, v59  }
0x35: {  	v3 =	vor.u32 v3, v4  }
0x36: {  	v4 =	vperm.xlane v3, v0;
	_ =	sdelay $0x1  }
0x37: {  	v3 =	vperm.xlane v3, v2;
	v4 =	vadd.s32 v1, v4;
	_ =	sdelay $0x1  }
0x38: {  	v3 =	vadd.s32 v1, v3;
	_ =	sdelay $0x2  }
0x39: {  	[tilespmem:s14], [sflag:$0x1] =	stream.indirect_vreg.gather [hbm4b:s3+s2], $0x80, v4, vm0, $0xb8;
	[tilespmem:$0xD000] =	vst v63  }
0x3a: {  	_ = 	snop  }
0x3b: {  	[tilespmem:s15], [sflag:$0x1] =	stream.indirect_vreg.gather [hbm4b:s3+s2], $0x80, v3, vm0, $0xb8;
	[tilespmem:$0xD000] =	vst v63  }
0x3c: {  	v3 =	vld [tilespmem:s26+$0x0];
	_ =	sdelay $0x4  }
0x3d: {  	v60 =	vshll.u32 v3, $0x1  }
0x3e: {  	v3 =	vand.u32 $0x7, v3;
	v4 =	vand.u32 $0xFFFFFFF0, v60  }
0x3f: {  	v3 =	vor.u32 v3, v4  }
0x40: {  	v4 =	vperm.xlane v3, v0;
	_ =	sdelay $0x1  }
0x41: {  	v3 =	vperm.xlane v3, v2;
	v4 =	vadd.s32 v1, v4;
	_ =	sdelay $0x1  }
0x42: {  	v3 =	vadd.s32 v1, v3;
	_ =	sdelay $0x2  }
0x43: {  	[tilespmem:s16], [sflag:$0x1] =	stream.indirect_vreg.gather [hbm4b:s3+s2], $0x80, v4, vm0, $0xb8;
	[tilespmem:$0xD000] =	vst v63  }
0x44: {  	_ = 	snop  }
0x45: {  	[tilespmem:s17], [sflag:$0x1] =	stream.indirect_vreg.gather [hbm4b:s3+s2], $0x80, v3, vm0, $0xb8;
	[tilespmem:$0xD000] =	vst v63  }
0x46: {  	v3 =	vld [tilespmem:s26+$0x10];
	_ =	sdelay $0x4  }
0x47: {  	v61 =	vshll.u32 v3, $0x1  }
0x48: {  	v3 =	vand.u32 $0x7, v3;
	v4 =	vand.u32 $0xFFFFFFF0, v61  }
0x49: {  	v3 =	vor.u32 v3, v4  }
0x4a: {  	v4 =	vperm.xlane v3, v0;
	_ =	sdelay $0x1  }
0x4b: {  	v3 =	vperm.xlane v3, v2;
	v4 =	vadd.s32 v1, v4;
	_ =	sdelay $0x1  }
0x4c: {  	v3 =	vadd.s32 v1, v3;
	_ =	sdelay $0x2  }
0x4d: {  	[tilespmem:s18], [sflag:$0x1] =	stream.indirect_vreg.gather [hbm4b:s3+s2], $0x80, v4, vm0, $0xb8;
	[tilespmem:$0xD000] =	vst v63  }
0x4e: {  	_ = 	snop  }
0x4f: {  	[tilespmem:s19], [sflag:$0x1] =	stream.indirect_vreg.gather [hbm4b:s3+s2], $0x80, v3, vm0, $0xb8;
	[tilespmem:$0xD000] =	vst v63  }
0x50: {  	v3 =	vld [tilespmem:s26+$0x20];
	_ =	sdelay $0x4  }
0x51: {  	v62 =	vshll.u32 v3, $0x1  }
0x52: {  	v3 =	vand.u32 $0x7, v3;
	v4 =	vand.u32 $0xFFFFFFF0, v62  }
0x53: {  	v3 =	vor.u32 v3, v4  }
0x54: {  	v4 =	vperm.xlane v3, v0;
	_ =	sdelay $0x1  }
0x55: {  	v3 =	vperm.xlane v3, v2;
	v4 =	vadd.s32 v1, v4;
	_ =	sdelay $0x1  }
0x56: {  	v3 =	vadd.s32 v1, v3;
	_ =	sdelay $0x2  }
0x57: {  	[tilespmem:s20], [sflag:$0x1] =	stream.indirect_vreg.gather [hbm4b:s3+s2], $0x80, v4, vm0, $0xb8;
	[tilespmem:$0xD000] =	vst v63  }
0x58: {  	_ = 	snop  }
0x59: {  	[tilespmem:s21], [sflag:$0x1] =	stream.indirect_vreg.gather [hbm4b:s3+s2], $0x80, v3, vm0, $0xb8;
	[tilespmem:$0xD000] =	vst v63  }
0x5a: {  	v3 =	vld [tilespmem:s26+$0x30];
	_ =	sdelay $0x4  }
0x5b: {  	v63 =	vshll.u32 v3, $0x1  }
0x5c: {  	v3 =	vand.u32 $0x7, v3;
	v4 =	vand.u32 $0xFFFFFFF0, v63  }
0x5d: {  	v3 =	vor.u32 v3, v4  }
0x5e: {  	v4 =	vperm.xlane v3, v0;
	_ =	sdelay $0x1  }
0x5f: {  	v3 =	vperm.xlane v3, v2;
	v4 =	vadd.s32 v1, v4;
	_ =	sdelay $0x1  }
0x60: {  	v3 =	vadd.s32 v1, v3;
	_ =	sdelay $0x2  }
0x61: {  	[tilespmem:s22], [sflag:$0x1] =	stream.indirect_vreg.gather [hbm4b:s3+s2], $0x80, v4, vm0, $0xb8;
	[tilespmem:$0xD000] =	vst v63  }
0x62: {  	_ = 	snop  }
0x63: {  	[tilespmem:s23], [sflag:$0x1] =	stream.indirect_vreg.gather [hbm4b:s3+s2], $0x80, v3, vm0, $0xb8;
	[tilespmem:$0xD000] =	vst v63  }
0x64: {  	_ =	swait.ge [sflag:s24], $0x8000  }
0x65: {  	p0 =	sne.s32 s28, $0x9D000;
	[sflag:s24] =	ssyncset.done $0x0  }
.Ltmp0:
0x66: {  	s29 =	sadd.s32 s28, s6;
	[sflag:s24] =	ssyncadd.s32 $0xFFFF8000;
	(pc) =	sbr.rel @p0 .LBB2_2-.Ltmp0, $4  }
0x67: {  	[hbm4b:s29+s2] =	stream.linear.scatter [tilespmem:s8], [sflag:$0x2], $0x8000, $0x38;
	[tilespmem:$0xD000] =	vst v63  }
0x68: {  	_ =	swait.ge [sflag:s7], $0x8000  }
0x69: {  	[sflag:s7] =	ssyncset.done $0x0  }
0x6a: {  	s28 =	sadd.s32 $0x1000, s28;
	s26 =	sadd.s32 $0x80, s26;
	[sflag:s7] =	ssyncadd.s32 $0xFFFF8000  }
0x6b: {  	s25 =	sadd.s32 $0x1, s25  }
0x6c: {  	p0 =	sne.s32 s25, s5  }
.Ltmp1:
0x6d: {  	_ = 	snop;
	(pc) =	sbr.rel @p0 .LBB2_1-.Ltmp1, $1  }
0x6e: {  	_ =	sdelay $0x3  }
0x6f: {  	_ =	sfence.sel $0x180000  }
0x70: {  	[bflag:$0x0] =	sbarrier.arrive $0xFFFF  }
0x71: {  	p0 =	sne.s32 s0, $0x0;
	_ =	strace $0x90000047  }
0x72: {  	s0 =	sadd.s32 @!p0 $0x100000, s1;
	[bflag:$0x2] =	sbarrier.arrive $0xFFFF  }
0x73: {  	[sflag:s0] =	ssyncadd.tile.s32 @!p0 $0x1;
	_ =	shalt  }
.Lfunc_end2:
_tile_overlayer_lowered:
.L_overlay_start_2:
0x74: {  	(tag) =	ssettag $0x2  }
0x75: {  	s0 =	rddreg [dreg:$0x0];
	s2 =	stileid.u32  }
0x76: {  	s1 =	rddreg [dreg:$0x1];
	p0 =	sne.s32 s2, $0x0  }
0x77: {  	s3 =	rddreg [dreg:$0x2];
	[bflag:$0x3] =	sbarrier.arrive $0xFFFF;
	s2 =	simm.s32 @!p0 $0x1C02  }
0x78: {  	[timem:s3], [sflag:s2] =	dma.local @!p0 [hbm:s0], s1  }
0x79: {  	s0 =	simm.s32 @!p0 $0x2  }
0x7a: {  	_ =	swait.ge @!p0 [sflag:s0], s1  }
0x7b: {  	s1 =	ssub.s32 @!p0 $0x0, s1;
	[sflag:s0] =	ssyncset.done @!p0 $0x0  }
0x7c: {  	[sflag:s0] =	ssyncadd.s32 @!p0 s1  }
0x7d: {  	[bflag:$0x3] =	sbarrier.arrive $0xFFFF  }
0x7e: {  	_ =	shalt  }

// kernel: kernel.15.cloned.1.call-start
scs
__scs_entry_jumppad:
0x0: {  	(pc) =	sbr.rel $0x88, $3  }
0x1: {  	(tag) =	ssettag $0x0;
	lr =	simm.s32 $0x1  }
0x2: {  	[smem:$0x3F74] =	sst lr;
	_ =	strace $0xD0000000  }
0x3: {  	_ = 	snop  }
0x4: {  	_ = 	snop  }
0x5: {  	_ = 	snop  }
0x6: {  	_ = 	snop  }
0x7: {  	_ = 	snop  }
__scs_overlays_trampoline_lowered:
0x8: {  	[smem:$0x3F83] =	sst s0  }
0x9: {  	[smem:$0x3F84] =	sst s1  }
0xa: {  	[smem:$0x3F85] =	sst s2  }
0xb: {  	[smem:$0x3F86] =	sst s3  }
0xc: {  	[smem:$0x3F87] =	sst s4  }
0xd: {  	[smem:$0x3F88] =	sst s5  }
0xe: {  	[smem:$0x3F89] =	sst s6  }
0xf: {  	[smem:$0x3F8A] =	sst s7  }
0x10: {  	[smem:$0x3F8B] =	sst s8  }
0x11: {  	[smem:$0x3F8C] =	sst s9;
	s0 =	simm.s32 @!p0 $0x0  }
0x12: {  	s1 =	sld [smem:$0x3F72];
	s0 =	simm.s32 @p0 $0x1  }
0x13: {  	[smem:$0x3F8D] =	sst s0;
	s0 =	simm.s32 @!p1 $0x0  }
0x14: {  	s2 =	sld [smem:$0x3F71];
	s0 =	simm.s32 @p1 $0x1  }
0x15: {  	[smem:$0x3F8E] =	sst s0;
	s0 =	simm.s32 @!p2 $0x0  }
0x16: {  	s3 =	sld [smem:$0x3FDB];
	s0 =	simm.s32 @p2 $0x1  }
0x17: {  	s4 =	simm.s32 $0x1BF5;
	[smem:$0x3F90] =	sst s0  }
0x18: {  	s0 =	sld [smem:$0x3F73];
	_ =	swait.ge [sflag:s4], $0x0  }
0x19: {  	s7 =	sld [smem:$0x3F74]  }
0x1a: {  	s8 =	sadd.s32 $0xFFFFE003, lr  }
0x1b: {  	s9 =	sadd.s32 $0xFFFFFEF7, lr;
	s5 =	simm.s32 $0xFFFFFFFF;
	p2 =	slt.u32 s8, $0xFFFFF086  }
0x1c: {  	p1 =	slt.u32 s9, $0xF7A;
	s5 =	simm.s32 @!p2 $0x0  }
0x1d: {  	s5 =	simm.s32 @p1 $0x1;
	p0 =	seq.s32 s7, s2  }
0x1e: {  	s7 =	smul.u32 @!p0 $0xF7A, s2;
	p2 =	seq.s32 @!p0 s5, $0x0  }
0x1f: {  	s9 =	smul.u32 $0xF7A, s1;
	s8 =	simm.s32 @!p0 $0x1BF5;
	p2 =	por !p2, p0  }
0x20: {  	[sflag:s8] =	ssyncset.s32 @!p0 $0xFFFFF086;
	s6 =	sadd.s32 @!p0 s3, s7;
	s7 =	simm.s32 @!p0 $0x108  }
0x21: {  	s3 =	sadd.s32 s3, s9;
	s6 =	sadd.s32 @!p0 $0x88, s6;
	s7 =	simm.s32 @p2 $0x1082  }
0x22: {  	[simem:s7], [sflag:s8] =	dma.local @!p0 [hbm:s6], $0xF7A  }
0x23: {  	s9 =	sor.u32 $0xD0000000, s2;
	s6 =	simm.s32 $0x108;
	_ =	swait.ge @!p0 [sflag:s8], $0x0  }
0x24: {  	s3 =	sadd.s32 $0x88, s3;
	s6 =	simm.s32 @!p1 $0x1082;
	[sflag:s4] =	ssyncset.s32 $0xFFFFF086  }
0x25: {  	[simem:s6], [sflag:s4] =	dma.local [hbm:s3], $0xF7A  }
0x26: {  	[smem:$0x3F74] =	sst s1;
	(tag) =	ssettag s2;
	_ =	strace s9  }
0x27: {  	s1 =	sld [smem:$0x3F84]  }
0x28: {  	s2 =	sld [smem:$0x3F85]  }
0x29: {  	s4 =	sld [smem:$0x3F87]  }
0x2a: {  	p0 =	seq.s32 s5, $0x0;
	s5 =	sld [smem:$0x3F88]  }
0x2b: {  	s6 =	sld [smem:$0x3F89]  }
0x2c: {  	s7 =	sld [smem:$0x3F8A]  }
0x2d: {  	s3 =	simm.s32 $0x108;
	s8 =	sld [smem:$0x3F8B]  }
0x2e: {  	s3 =	simm.s32 @!p0 $0x1082;
	s9 =	sld [smem:$0x3F8C]  }
0x2f: {  	lr =	sadd.s32 s0, s3;
	s0 =	sld [smem:$0x3F83]  }
0x30: {  	s3 =	sld [smem:$0x3F86]  }
0x31: {  	[smem:$0x3F8F] =	sst s10  }
0x32: {  	s10 =	sld [smem:$0x3F8D];
	_ =	sdelay $0x3  }
0x33: {  	p0 =	seq.s32 s10, $0x1;
	s10 =	sld [smem:$0x3F8F];
	_ =	sdelay $0x3  }
0x34: {  	[smem:$0x3F8F] =	sst s10  }
0x35: {  	s10 =	sld [smem:$0x3F8E];
	_ =	sdelay $0x3  }
0x36: {  	p1 =	seq.s32 s10, $0x1;
	s10 =	sld [smem:$0x3F8F];
	_ =	sdelay $0x3  }
0x37: {  	[smem:$0x3F8F] =	sst s10  }
0x38: {  	s10 =	sld [smem:$0x3F90]  }
0x39: {  	_ = 	snop;
	(pc) =	sbr.ind lr, $3  }
0x3a: {  	_ = 	snop  }
0x3b: {  	_ = 	snop  }
0x3c: {  	p2 =	seq.s32 s10, $0x1;
	s10 =	sld [smem:$0x3F8F]  }
0x3d: {  	_ =	shalt  }
0x3e: {  	_ =	shalt  }
0x3f: {  	_ =	shalt  }
0x40: {  	_ =	shalt  }
0x41: {  	_ =	shalt  }
0x42: {  	_ =	shalt  }
0x43: {  	_ =	shalt  }
0x44: {  	_ =	shalt  }
0x45: {  	_ =	shalt  }
0x46: {  	_ =	shalt  }
0x47: {  	_ =	shalt  }
0x48: {  	_ =	shalt  }
0x49: {  	_ =	shalt  }
0x4a: {  	_ =	shalt  }
0x4b: {  	_ =	shalt  }
0x4c: {  	_ =	shalt  }
0x4d: {  	_ =	shalt  }
0x4e: {  	_ =	shalt  }
0x4f: {  	_ =	shalt  }
0x50: {  	_ =	shalt  }
0x51: {  	_ =	shalt  }
0x52: {  	_ =	shalt  }
0x53: {  	_ =	shalt  }
0x54: {  	_ =	shalt  }
0x55: {  	_ =	shalt  }
0x56: {  	_ =	shalt  }
0x57: {  	_ =	shalt  }
0x58: {  	_ =	shalt  }
0x59: {  	_ =	shalt  }
0x5a: {  	_ =	shalt  }
0x5b: {  	_ =	shalt  }
0x5c: {  	_ =	shalt  }
0x5d: {  	_ =	shalt  }
0x5e: {  	_ =	shalt  }
0x5f: {  	_ =	shalt  }
0x60: {  	_ =	shalt  }
0x61: {  	_ =	shalt  }
0x62: {  	_ =	shalt  }
0x63: {  	_ =	shalt  }
0x64: {  	_ =	shalt  }
0x65: {  	_ =	shalt  }
0x66: {  	_ =	shalt  }
0x67: {  	_ =	shalt  }
0x68: {  	_ =	shalt  }
0x69: {  	_ =	shalt  }
0x6a: {  	_ =	shalt  }
0x6b: {  	_ =	shalt  }
0x6c: {  	_ =	shalt  }
0x6d: {  	_ =	shalt  }
0x6e: {  	_ =	shalt  }
0x6f: {  	_ =	shalt  }
0x70: {  	_ =	shalt  }
0x71: {  	_ =	shalt  }
0x72: {  	_ =	shalt  }
0x73: {  	_ =	shalt  }
0x74: {  	_ =	shalt  }
0x75: {  	_ =	shalt  }
0x76: {  	_ =	shalt  }
0x77: {  	_ =	shalt  }
0x78: {  	_ =	shalt  }
0x79: {  	_ =	shalt  }
0x7a: {  	_ =	shalt  }
0x7b: {  	_ =	shalt  }
0x7c: {  	_ =	shalt  }
0x7d: {  	_ =	shalt  }
0x7e: {  	_ =	shalt  }
0x7f: {  	_ =	shalt  }
0x80: {  	_ =	shalt  }
0x81: {  	_ =	shalt  }
0x82: {  	_ =	shalt  }
0x83: {  	_ =	shalt  }
0x84: {  	_ =	shalt  }
0x85: {  	_ =	shalt  }
0x86: {  	_ =	shalt  }
0x87: {  	_ =	shalt  }
.Lfunc_end0:
.L_simem_size_0:
called_computation.1_lowered:
.L_overlay_start_0:
0x88: {  	s2 =	sld [smem:$0x3FD9]  }
0x89: {  	s3 =	sld [smem:$0x3FFE];
	_ =	sdelay $0x1  }
0x8a: {  	s1 =	srdreg.scid  }
0x8b: {  	s0 =	sand.u32 $0x1, s1  }
0x8c: {  	s16 =	sshll.u32 s0, $0xA;
	s2 =	sadd.s32 s3, s2  }
0x8d: {  	s2 =	sadd.s32 s2, s16  }
0x8e: {  	[smem:$0x3F9B] =	sst s2  }
0x8f: {  	_ = 	snop  }
0x90: {  	(tm) =	ssettm $0x1  }
0x91: {  	s17 =	sld [smem:$0x3FFB];
	_ =	sdelay $0x3  }
0x92: {  	_ =	strace s17  }
0x93: {  	s2 =	sld [smem:$0x3FFC];
	_ =	sdelay $0x3  }
0x94: {  	_ =	strace s2  }
0x95: {  	s2 =	sld [smem:$0x3FFD];
	_ =	sdelay $0x3  }
0x96: {  	_ =	strace s2  }
0x97: {  	_ =	strace $0x8FFFFFFF  }
0x98: {  	s18 =	sld [smem:$0x3FDB];
	_ =	sdelay $0x1  }
0x99: {  	s19 =	simm.s32 $_scs_section_size  }
0x9a: {  	s4 =	simm.s32 $_size__tile_overlayer_lowered;
	s5 =	simm.s32 $_tile_overlayer_lowered  }
0x9b: {  	s22 =	simm.s32 $0x1BFF;
	s21 =	sshll.u32 s5, $0x1;
	s2 =	sadd.s32 s19, s18  }
0x9c: {  	s6 =	simm.s32 $0x0;
	s20 =	sshll.u32 s4, $0x1;
	s4 =	sadd.s32 s21, s2  }
0x9d: {  	[timem:s6], [sflag:s22] =	dma.local [hbm:s4], s20  }
0x9e: {  	_ =	swait.ge [sflag:s22], s20  }
0x9f: {  	s3 =	ssub.s32 $0x0, s20;
	[sflag:s22] =	ssyncset.done $0x0  }
0xa0: {  	[sflag:s22] =	ssyncadd.s32 s3;
	_ =	sdelay $0x1  }
0xa1: {  	s23 =	simm.s32 $0x1B8B  }
0xa2: {  	_ =	swait.ge [sflag:s23], $0x1  }
0xa3: {  	[sflag:s23] =	ssyncset.done $0x0  }
0xa4: {  	s25 =	simm.s32 $0x1B8E;
	s24 =	sld [smem:$0x3FFE];
	[sflag:s23] =	ssyncadd.s32 $0xFFFFFFFF  }
0xa5: {  	s26 =	simm.s32 $execute0_lowered;
	[smem:$0x3FD2] =	sst s25  }
0xa6: {  	s4 =	sshll.u32 s26, $0x1;
	_ =	strace $0x80000049;
	[dreg:$0x1] =	wrdreg $0xFFFFFFFF  }
0xa7: {  	s28 =	simm.s32 $_size_execute0_lowered;
	s2 =	sadd.s32 s2, s4;
	[dreg:$0x0] =	wrdreg $0x0  }
0xa8: {  	s4 =	sshll.u32 s28, $0x1;
	[dreg:$0x2] =	wrdreg s2  }
0xa9: {  	[dreg:$0x3] =	wrdreg s4  }
0xaa: {  	[dreg:$0x4] =	wrdreg $0xC0  }
0xab: {  	_ =	task [dreg:s6], $0x5FFFF  }
0xac: {  	[dreg:$0x1] =	wrdreg $0xFFFFFFFF  }
0xad: {  	[dreg:$0x0] =	wrdreg $0x60  }
0xae: {  	[dreg:$0x2] =	wrdreg s24  }
0xaf: {  	[dreg:$0x3] =	wrdreg $0x90000  }
0xb0: {  	[dreg:$0x4] =	wrdreg $0x9  }
0xb1: {  	_ =	task.clear_ibuf [dreg:s6], $0x5FFFF;
	_ =	strace $0x90000049  }
0xb2: {  	s29 =	simm.s32 $0x9;
	_ =	strace $0x8000004B  }
0xb3: {  	_ =	swait.ge [sflag:s29], $0x1  }
0xb4: {  	[sflag:s29] =	ssyncadd.s32 $0xFFFFFFFF  }
0xb5: {  	_ =	strace $0x9000004B  }
0xb6: {  	_ =	sfence  }
0xb7: {  	s30 =	sld [smem:$0x0];
	_ =	sdelay $0x2  }
0xb8: {  	s31 =	sshll.u32 s1, $0xD;
	s1 =	sshrl.u32 s1, $0x2  }
0xb9: {  	s3 =	sand.u32 $0x4000, s31;
	s1 =	sadd.s32 s1, s30  }
0xba: {  	s0 =	sor.u32 s3, s0;
	s1 =	sshll.u32 s1, $0x11  }
0xbb: {  	s0 =	sor.u32 s1, s0  }
0xbc: {  	s0 =	sadd.s32 $0x8F2B, s0  }
0xbd: {  	[sflag:s0] =	ssyncadd.remote.s32 $0x1  }
0xbe: {  	_ =	sfence.sel $0xFFFF  }
0xbf: {  	[dreg:$0x0] =	wrdreg $0xFFFFFFFF;
	(pc) =	sbr.abs _section_cstart, $3  }
0xc0: {  	[dreg:$0x1] =	wrdreg $0xFFFFFFFF  }
0xc1: {  	_ =	task.clear_ibuf [dreg:s6], $0x2FFFF;
	_ =	strace $0x9FFFFFFF  }
0xc2: {  	(tm) =	ssettm $0x7FFFFFFF  }
0xc3: {  	_ =	shalt  }
tec
execute0_lowered:
.L_overlay_start_1:
0x0: {  	(tag) =	ssettag $0x1  }
0x1: {  	s4 =	rddreg [dreg:$0x0]  }
0x2: {  	s2 =	rddreg [dreg:$0x1]  }
0x3: {  	s1 =	stileid.u32;
	s0 =	rddreg [dreg:$0x2];
	s3 =	simm.s32 $0x0  }
0x4: {  	s7 =	srdreg.scid;
	s13 =	simm.s32 $0x5000;
	s5 =	smul.u32 $0x4F000, s1  }
0x5: {  	s14 =	simm.s32 $0x80;
	s15 =	simm.s32 $0x0;
	s6 =	smul.u32 $0xA00, s1  }
0x6: {  	[smem:$0x7FF] =	sst s3;
	s8 =	smul.u32 $0x14000, s1;
	s7 =	sand.u32 $0x1, s7  }
0x7: {  	s11 =	smul.u32 $0x50000, s1;
	s31 =	sshll.u32 s1, $0x6;
	_ =	strace $0x8000004A  }
0x8: {  	s9 =	smul.u32 $0x140000, s7;
	s29 =	ssub.s32 $0x2, s7;
	p0 =	seq.s32 s7, $0x1  }
0x9: {  	s10 =	sadd.s32 s5, s4;
	s6 =	sadd.s32 s6, s4;
	s28 =	sshrl.u32 s8, $0x3  }
0xa: {  	s12 =	sshrl.u32 s29, $0x1;
	s30 =	sshrl.u32 s11, $0x2;
	s8 =	sadd.s32 s8, s9  }
.Ltmp0:
0xb: {  	s5 =	sadd.s32 s28, s4;
	s9 =	ssub.s32 s29, s12;
	(pc) =	sbr.rel .LBB2_1-.Ltmp0, $4  }
0xc: {  	s11 =	sadd.s32 s30, s2;
	s6 =	sadd.s32 $0x1435000, s6;
	s8 =	sshrl.u32 s8, $0x3  }
0xd: {  	s12 =	simm.s32 $0x1;
	s11 =	sshrl.u32 s11, $0x3;
	s8 =	sadd.s32 s8, s4  }
0xe: {  	s4 =	sadd.s32 $0x143F000, s5;
	s5 =	sor.u32 $0x1C01, s31;
	s7 =	sadd.s32 $0x1467000, s8  }
0xf: {  	s8 =	smax.u32 s9, $0x1;
	s9 =	sadd.s32 $0x1E07000, s10;
	s10 =	sadd.s32 $0x22F7000, s10  }
.LBB2_7:
0x10: {  	[sflag:s12] =	ssyncadd.s32 $0xFFFFC000  }
.LBB2_8:
0x11: {  	s15 =	sadd.s32 $0x1, s15  }
0x12: {  	p1 =	sne.s32 s15, s8  }
.Ltmp1:
0x13: {  	[bflag:$0x0] =	sbarrier.arrive $0xFFFF;
	(pc) =	sbr.rel @!p1 .LBB2_9-.Ltmp1, $4  }
0x14: {  	[hbm:s7], [sflag:s5] =	dma.local [spmem:s11], $0x2800  }
0x15: {  	_ =	swait.ge [sflag:s12], $0x2800  }
0x16: {  	[sflag:s12] =	ssyncset.done $0x0  }
0x17: {  	[sflag:s12] =	ssyncadd.s32 $0xFFFFD800  }
.LBB2_1:
0x18: {  	[spmem:s11], [sflag:s5] =	dma.local [hbm:s4], $0x2800  }
0x19: {  	_ =	swait.ge [sflag:s12], $0x2800  }
0x1a: {  	[sflag:s12] =	ssyncset.done $0x0  }
0x1b: {  	[sflag:s12] =	ssyncadd.s32 $0xFFFFD800  }
0x1c: {  	[tilespmem:s3], [sflag:$0x1] =	stream.linear.gather [hbm4b:s6+s3], $0x4F00, $0x38;
	[tilespmem:$0x1D000] =	vst v63  }
.Ltmp2:
0x1d: {  	_ =	swait.ge [sflag:s12], $0x4F00;
	(pc) =	sbr.rel @!p0 .LBB2_2-.Ltmp2, $3  }
0x1e: {  	[sflag:s12] =	ssyncset.done $0x0  }
0x1f: {  	[sflag:s12] =	ssyncadd.s32 $0xFFFFB100  }
0x20: {  	[bflag:$0x0] =	sbarrier.arrive $0xFFFF;
	_ =	sdelay $0x1  }
0x21: {  	[tilespmem:s13], [sflag:$0x1] =	stream.linear.gather [hbm4b:s10+s3], $0x4000, $0x38;
	[tilespmem:$0x1D000] =	vst v63  }
0x22: {  	_ =	swait.ge [sflag:s12], $0x4000  }
0x23: {  	[sflag:s12] =	ssyncset.done $0x0  }
0x24: {  	s16 =	simm.s32 $0x0;
	[sflag:s12] =	ssyncadd.s32 $0xFFFFC000  }
0x25: {  	[spmem:s2] =	stream.indirect.scatter.add.f32 [tilespmem:s13], [sflag:$0x1], $0x80, s16, s14, $0xb8;
	[tilespmem:$0x1D000] =	vst v63  }
0x26: {  	_ =	swait.ge [sflag:s12], $0x4000  }
0x27: {  	s17 =	smov.u32 s10;
	s16 =	simm.s32 $0x200;
	[sflag:s12] =	ssyncset.done $0x0  }
.LBB2_6:
0x28: {  	p1 =	sne.s32 s16, $0x13A00;
	[sflag:s12] =	ssyncadd.s32 $0xFFFFC000;
	s17 =	sadd.s32 $0x800, s17  }
0x29: {  	[tilespmem:s13], [sflag:$0x1] =	stream.linear.gather [hbm4b:s17+s3], $0x4000, $0x38;
	[tilespmem:$0x1D000] =	vst v63  }
0x2a: {  	s18 =	smov.u32 s16;
	s16 =	sadd.s32 $0x200, s16;
	_ =	swait.ge [sflag:s12], $0x4000  }
.Ltmp3:
0x2b: {  	[sflag:s12] =	ssyncset.done $0x0;
	(pc) =	sbr.rel @p1 .LBB2_6-.Ltmp3, $4  }
0x2c: {  	s18 =	sshra.s32 s18, $0x2;
	[sflag:s12] =	ssyncadd.s32 $0xFFFFC000  }
0x2d: {  	[spmem:s2] =	stream.indirect.scatter.add.f32 [tilespmem:s13], [sflag:$0x1], $0x80, s18, s14, $0xb8;
	[tilespmem:$0x1D000] =	vst v63  }
0x2e: {  	_ =	swait.ge [sflag:s12], $0x4000  }
0x2f: {  	[sflag:s12] =	ssyncset.done $0x0  }
.Ltmp4:
0x30: {  	_ = 	snop;
	(pc) =	sbr.rel .LBB2_7-.Ltmp4, $1  }
0x31: {  	_ =	sdelay $0x3  }
.LBB2_2:
0x32: {  	[tilespmem:s13], [sflag:$0x1] =	stream.linear.gather [hbm4b:s9+s3], $0x4000, $0x38;
	[tilespmem:$0x1D000] =	vst v63  }
0x33: {  	_ =	swait.ge [sflag:s12], $0x4000  }
0x34: {  	[sflag:s12] =	ssyncset.done $0x0  }
0x35: {  	s16 =	simm.s32 $0x0;
	[sflag:s12] =	ssyncadd.s32 $0xFFFFC000  }
0x36: {  	[spmem:s2] =	stream.indirect.scatter.add.f32 [tilespmem:s13], [sflag:$0x1], $0x80, s16, s14, $0xb8;
	[tilespmem:$0x1D000] =	vst v63  }
0x37: {  	_ =	swait.ge [sflag:s12], $0x4000  }
0x38: {  	s17 =	smov.u32 s9;
	s16 =	simm.s32 $0x200;
	[sflag:s12] =	ssyncset.done $0x0  }
.LBB2_3:
0x39: {  	p1 =	seq.s32 s16, $0x13A00;
	[sflag:s12] =	ssyncadd.s32 $0xFFFFC000;
	s17 =	sadd.s32 $0x800, s17  }
0x3a: {  	[tilespmem:s13], [sflag:$0x1] =	stream.linear.gather [hbm4b:s17+s3], $0x4000, $0x38;
	[tilespmem:$0x1D000] =	vst v63  }
0x3b: {  	s18 =	smov.u32 s16;
	s16 =	sadd.s32 $0x200, s16;
	_ =	swait.ge [sflag:s12], $0x4000  }
.Ltmp5:
0x3c: {  	[sflag:s12] =	ssyncset.done $0x0;
	(pc) =	sbr.rel @!p1 .LBB2_3-.Ltmp5, $4  }
0x3d: {  	s18 =	sshra.s32 s18, $0x2;
	[sflag:s12] =	ssyncadd.s32 $0xFFFFC000  }
0x3e: {  	[spmem:s2] =	stream.indirect.scatter.add.f32 [tilespmem:s13], [sflag:$0x1], $0x80, s18, s14, $0xb8;
	[tilespmem:$0x1D000] =	vst v63  }
0x3f: {  	_ =	swait.ge [sflag:s12], $0x4000  }
0x40: {  	[sflag:s12] =	ssyncset.done $0x0  }
.Ltmp6:
0x41: {  	(pc) =	sbr.rel .LBB2_8-.Ltmp6, $2  }
0x42: {  	_ =	sdelay $0x2  }
0x43: {  	[sflag:s12] =	ssyncadd.s32 $0xFFFFC000  }
.LBB2_9:
0x44: {  	_ =	sfence.sel $0x180000  }
0x45: {  	[bflag:$0x0] =	sbarrier.arrive $0xFFFF  }
0x46: {  	p0 =	sne.s32 s1, $0x0;
	_ =	strace $0x9000004A  }
0x47: {  	s0 =	sadd.s32 @!p0 $0x100000, s0;
	[bflag:$0x2] =	sbarrier.arrive $0xFFFF  }
0x48: {  	[sflag:s0] =	ssyncadd.tile.s32 @!p0 $0x1;
	_ =	shalt  }
.Lfunc_end2:
_tile_overlayer_lowered:
.L_overlay_start_2:
0x49: {  	(tag) =	ssettag $0x2  }
0x4a: {  	s0 =	rddreg [dreg:$0x0];
	s2 =	stileid.u32  }
0x4b: {  	s1 =	rddreg [dreg:$0x1];
	p0 =	sne.s32 s2, $0x0  }
0x4c: {  	s3 =	rddreg [dreg:$0x2];
	[bflag:$0x3] =	sbarrier.arrive $0xFFFF;
	s2 =	simm.s32 @!p0 $0x1C01  }
0x4d: {  	[timem:s3], [sflag:s2] =	dma.local @!p0 [hbm:s0], s1  }
0x4e: {  	s0 =	simm.s32 @!p0 $0x1  }
0x4f: {  	_ =	swait.ge @!p0 [sflag:s0], s1  }
0x50: {  	s1 =	ssub.s32 @!p0 $0x0, s1;
	[sflag:s0] =	ssyncset.done @!p0 $0x0  }
0x51: {  	[sflag:s0] =	ssyncadd.s32 @!p0 s1  }
0x52: {  	[bflag:$0x3] =	sbarrier.arrive $0xFFFF  }
0x53: {  	_ =	shalt  }

// kernel: kernel.18.cloned.1.call-start
scs
__scs_entry_jumppad:
0x0: {  	(pc) =	sbr.rel $0x88, $3  }
0x1: {  	(tag) =	ssettag $0x0;
	lr =	simm.s32 $0x1  }
0x2: {  	[smem:$0x3F74] =	sst lr;
	_ =	strace $0xD0000000  }
0x3: {  	_ = 	snop  }
0x4: {  	_ = 	snop  }
0x5: {  	_ = 	snop  }
0x6: {  	_ = 	snop  }
0x7: {  	_ = 	snop  }
__scs_overlays_trampoline_lowered:
0x8: {  	[smem:$0x3F83] =	sst s0  }
0x9: {  	[smem:$0x3F84] =	sst s1  }
0xa: {  	[smem:$0x3F85] =	sst s2  }
0xb: {  	[smem:$0x3F86] =	sst s3  }
0xc: {  	[smem:$0x3F87] =	sst s4  }
0xd: {  	[smem:$0x3F88] =	sst s5  }
0xe: {  	[smem:$0x3F89] =	sst s6  }
0xf: {  	[smem:$0x3F8A] =	sst s7  }
0x10: {  	[smem:$0x3F8B] =	sst s8  }
0x11: {  	[smem:$0x3F8C] =	sst s9;
	s0 =	simm.s32 @!p0 $0x0  }
0x12: {  	s1 =	sld [smem:$0x3F72];
	s0 =	simm.s32 @p0 $0x1  }
0x13: {  	[smem:$0x3F8D] =	sst s0;
	s0 =	simm.s32 @!p1 $0x0  }
0x14: {  	s2 =	sld [smem:$0x3F71];
	s0 =	simm.s32 @p1 $0x1  }
0x15: {  	[smem:$0x3F8E] =	sst s0;
	s0 =	simm.s32 @!p2 $0x0  }
0x16: {  	s3 =	sld [smem:$0x3FDB];
	s0 =	simm.s32 @p2 $0x1  }
0x17: {  	s4 =	simm.s32 $0x1BF5;
	[smem:$0x3F90] =	sst s0  }
0x18: {  	s0 =	sld [smem:$0x3F73];
	_ =	swait.ge [sflag:s4], $0x0  }
0x19: {  	s7 =	sld [smem:$0x3F74]  }
0x1a: {  	s8 =	sadd.s32 $0xFFFFE003, lr  }
0x1b: {  	s9 =	sadd.s32 $0xFFFFFEF7, lr;
	s5 =	simm.s32 $0xFFFFFFFF;
	p2 =	slt.u32 s8, $0xFFFFF086  }
0x1c: {  	p1 =	slt.u32 s9, $0xF7A;
	s5 =	simm.s32 @!p2 $0x0  }
0x1d: {  	s5 =	simm.s32 @p1 $0x1;
	p0 =	seq.s32 s7, s2  }
0x1e: {  	s7 =	smul.u32 @!p0 $0xF7A, s2;
	p2 =	seq.s32 @!p0 s5, $0x0  }
0x1f: {  	s9 =	smul.u32 $0xF7A, s1;
	s8 =	simm.s32 @!p0 $0x1BF5;
	p2 =	por !p2, p0  }
0x20: {  	[sflag:s8] =	ssyncset.s32 @!p0 $0xFFFFF086;
	s6 =	sadd.s32 @!p0 s3, s7;
	s7 =	simm.s32 @!p0 $0x108  }
0x21: {  	s3 =	sadd.s32 s3, s9;
	s6 =	sadd.s32 @!p0 $0x88, s6;
	s7 =	simm.s32 @p2 $0x1082  }
0x22: {  	[simem:s7], [sflag:s8] =	dma.local @!p0 [hbm:s6], $0xF7A  }
0x23: {  	s9 =	sor.u32 $0xD0000000, s2;
	s6 =	simm.s32 $0x108;
	_ =	swait.ge @!p0 [sflag:s8], $0x0  }
0x24: {  	s3 =	sadd.s32 $0x88, s3;
	s6 =	simm.s32 @!p1 $0x1082;
	[sflag:s4] =	ssyncset.s32 $0xFFFFF086  }
0x25: {  	[simem:s6], [sflag:s4] =	dma.local [hbm:s3], $0xF7A  }
0x26: {  	[smem:$0x3F74] =	sst s1;
	(tag) =	ssettag s2;
	_ =	strace s9  }
0x27: {  	s1 =	sld [smem:$0x3F84]  }
0x28: {  	s2 =	sld [smem:$0x3F85]  }
0x29: {  	s4 =	sld [smem:$0x3F87]  }
0x2a: {  	p0 =	seq.s32 s5, $0x0;
	s5 =	sld [smem:$0x3F88]  }
0x2b: {  	s6 =	sld [smem:$0x3F89]  }
0x2c: {  	s7 =	sld [smem:$0x3F8A]  }
0x2d: {  	s3 =	simm.s32 $0x108;
	s8 =	sld [smem:$0x3F8B]  }
0x2e: {  	s3 =	simm.s32 @!p0 $0x1082;
	s9 =	sld [smem:$0x3F8C]  }
0x2f: {  	lr =	sadd.s32 s0, s3;
	s0 =	sld [smem:$0x3F83]  }
0x30: {  	s3 =	sld [smem:$0x3F86]  }
0x31: {  	[smem:$0x3F8F] =	sst s10  }
0x32: {  	s10 =	sld [smem:$0x3F8D];
	_ =	sdelay $0x3  }
0x33: {  	p0 =	seq.s32 s10, $0x1;
	s10 =	sld [smem:$0x3F8F];
	_ =	sdelay $0x3  }
0x34: {  	[smem:$0x3F8F] =	sst s10  }
0x35: {  	s10 =	sld [smem:$0x3F8E];
	_ =	sdelay $0x3  }
0x36: {  	p1 =	seq.s32 s10, $0x1;
	s10 =	sld [smem:$0x3F8F];
	_ =	sdelay $0x3  }
0x37: {  	[smem:$0x3F8F] =	sst s10  }
0x38: {  	s10 =	sld [smem:$0x3F90]  }
0x39: {  	_ = 	snop;
	(pc) =	sbr.ind lr, $3  }
0x3a: {  	_ = 	snop  }
0x3b: {  	_ = 	snop  }
0x3c: {  	p2 =	seq.s32 s10, $0x1;
	s10 =	sld [smem:$0x3F8F]  }
0x3d: {  	_ =	shalt  }
0x3e: {  	_ =	shalt  }
0x3f: {  	_ =	shalt  }
0x40: {  	_ =	shalt  }
0x41: {  	_ =	shalt  }
0x42: {  	_ =	shalt  }
0x43: {  	_ =	shalt  }
0x44: {  	_ =	shalt  }
0x45: {  	_ =	shalt  }
0x46: {  	_ =	shalt  }
0x47: {  	_ =	shalt  }
0x48: {  	_ =	shalt  }
0x49: {  	_ =	shalt  }
0x4a: {  	_ =	shalt  }
0x4b: {  	_ =	shalt  }
0x4c: {  	_ =	shalt  }
0x4d: {  	_ =	shalt  }
0x4e: {  	_ =	shalt  }
0x4f: {  	_ =	shalt  }
0x50: {  	_ =	shalt  }
0x51: {  	_ =	shalt  }
0x52: {  	_ =	shalt  }
0x53: {  	_ =	shalt  }
0x54: {  	_ =	shalt  }
0x55: {  	_ =	shalt  }
0x56: {  	_ =	shalt  }
0x57: {  	_ =	shalt  }
0x58: {  	_ =	shalt  }
0x59: {  	_ =	shalt  }
0x5a: {  	_ =	shalt  }
0x5b: {  	_ =	shalt  }
0x5c: {  	_ =	shalt  }
0x5d: {  	_ =	shalt  }
0x5e: {  	_ =	shalt  }
0x5f: {  	_ =	shalt  }
0x60: {  	_ =	shalt  }
0x61: {  	_ =	shalt  }
0x62: {  	_ =	shalt  }
0x63: {  	_ =	shalt  }
0x64: {  	_ =	shalt  }
0x65: {  	_ =	shalt  }
0x66: {  	_ =	shalt  }
0x67: {  	_ =	shalt  }
0x68: {  	_ =	shalt  }
0x69: {  	_ =	shalt  }
0x6a: {  	_ =	shalt  }
0x6b: {  	_ =	shalt  }
0x6c: {  	_ =	shalt  }
0x6d: {  	_ =	shalt  }
0x6e: {  	_ =	shalt  }
0x6f: {  	_ =	shalt  }
0x70: {  	_ =	shalt  }
0x71: {  	_ =	shalt  }
0x72: {  	_ =	shalt  }
0x73: {  	_ =	shalt  }
0x74: {  	_ =	shalt  }
0x75: {  	_ =	shalt  }
0x76: {  	_ =	shalt  }
0x77: {  	_ =	shalt  }
0x78: {  	_ =	shalt  }
0x79: {  	_ =	shalt  }
0x7a: {  	_ =	shalt  }
0x7b: {  	_ =	shalt  }
0x7c: {  	_ =	shalt  }
0x7d: {  	_ =	shalt  }
0x7e: {  	_ =	shalt  }
0x7f: {  	_ =	shalt  }
0x80: {  	_ =	shalt  }
0x81: {  	_ =	shalt  }
0x82: {  	_ =	shalt  }
0x83: {  	_ =	shalt  }
0x84: {  	_ =	shalt  }
0x85: {  	_ =	shalt  }
0x86: {  	_ =	shalt  }
0x87: {  	_ =	shalt  }
.Lfunc_end0:
.L_simem_size_0:
called_computation.2_lowered:
.L_overlay_start_0:
0x88: {  	s2 =	sld [smem:$0x3FD9]  }
0x89: {  	s3 =	sld [smem:$0x3FFE];
	_ =	sdelay $0x1  }
0x8a: {  	s1 =	srdreg.scid  }
0x8b: {  	s0 =	sand.u32 $0x1, s1  }
0x8c: {  	s16 =	sshll.u32 s0, $0xA;
	s2 =	sadd.s32 s3, s2  }
0x8d: {  	s2 =	sadd.s32 s2, s16  }
0x8e: {  	[smem:$0x3F9B] =	sst s2  }
0x8f: {  	_ = 	snop  }
0x90: {  	(tm) =	ssettm $0x1  }
0x91: {  	s17 =	sld [smem:$0x3FFB];
	_ =	sdelay $0x3  }
0x92: {  	_ =	strace s17  }
0x93: {  	s2 =	sld [smem:$0x3FFC];
	_ =	sdelay $0x3  }
0x94: {  	_ =	strace s2  }
0x95: {  	s2 =	sld [smem:$0x3FFD];
	_ =	sdelay $0x3  }
0x96: {  	_ =	strace s2  }
0x97: {  	_ =	strace $0x8FFFFFFF  }
0x98: {  	s18 =	sld [smem:$0x3FDB];
	_ =	sdelay $0x1  }
0x99: {  	s19 =	simm.s32 $_scs_section_size  }
0x9a: {  	s4 =	simm.s32 $_size__tile_overlayer_lowered;
	s5 =	simm.s32 $_tile_overlayer_lowered  }
0x9b: {  	s22 =	simm.s32 $0x1BFF;
	s21 =	sshll.u32 s5, $0x1;
	s2 =	sadd.s32 s19, s18  }
0x9c: {  	s6 =	simm.s32 $0x0;
	s20 =	sshll.u32 s4, $0x1;
	s4 =	sadd.s32 s21, s2  }
0x9d: {  	[timem:s6], [sflag:s22] =	dma.local [hbm:s4], s20  }
0x9e: {  	_ =	swait.ge [sflag:s22], s20  }
0x9f: {  	s3 =	ssub.s32 $0x0, s20;
	[sflag:s22] =	ssyncset.done $0x0  }
0xa0: {  	[sflag:s22] =	ssyncadd.s32 s3;
	_ =	sdelay $0x1  }
0xa1: {  	s23 =	simm.s32 $0x1B8B  }
0xa2: {  	_ =	swait.ge [sflag:s23], $0x1  }
0xa3: {  	[sflag:s23] =	ssyncset.done $0x0  }
0xa4: {  	s25 =	simm.s32 $0x1B8E;
	s24 =	sld [smem:$0x3FFE];
	[sflag:s23] =	ssyncadd.s32 $0xFFFFFFFF  }
0xa5: {  	s26 =	simm.s32 $execute0_lowered;
	[smem:$0x3FD2] =	sst s25  }
0xa6: {  	s4 =	sshll.u32 s26, $0x1;
	_ =	strace $0x8000004C;
	[dreg:$0x1] =	wrdreg $0xFFFFFFFF  }
0xa7: {  	s28 =	simm.s32 $_size_execute0_lowered;
	s2 =	sadd.s32 s2, s4;
	[dreg:$0x0] =	wrdreg $0x0  }
0xa8: {  	s4 =	sshll.u32 s28, $0x1;
	[dreg:$0x2] =	wrdreg s2  }
0xa9: {  	[dreg:$0x3] =	wrdreg s4  }
0xaa: {  	[dreg:$0x4] =	wrdreg $0xC0  }
0xab: {  	_ =	task [dreg:s6], $0x5FFFF  }
0xac: {  	[dreg:$0x1] =	wrdreg $0xFFFFFFFF  }
0xad: {  	[dreg:$0x0] =	wrdreg $0x60  }
0xae: {  	[dreg:$0x2] =	wrdreg s24  }
0xaf: {  	[dreg:$0x3] =	wrdreg $0x9  }
0xb0: {  	_ =	task.clear_ibuf [dreg:s6], $0x4FFFF;
	_ =	strace $0x9000004C  }
0xb1: {  	s29 =	simm.s32 $0x9;
	_ =	strace $0x8000004E  }
0xb2: {  	_ =	swait.ge [sflag:s29], $0x1  }
0xb3: {  	[sflag:s29] =	ssyncadd.s32 $0xFFFFFFFF  }
0xb4: {  	_ =	strace $0x9000004E  }
0xb5: {  	_ =	sfence  }
0xb6: {  	s30 =	sld [smem:$0x0];
	_ =	sdelay $0x2  }
0xb7: {  	s31 =	sshll.u32 s1, $0xD;
	s1 =	sshrl.u32 s1, $0x2  }
0xb8: {  	s3 =	sand.u32 $0x4000, s31;
	s1 =	sadd.s32 s1, s30  }
0xb9: {  	s0 =	sor.u32 s3, s0;
	s1 =	sshll.u32 s1, $0x11  }
0xba: {  	s0 =	sor.u32 s1, s0  }
0xbb: {  	s0 =	sadd.s32 $0x8F2B, s0  }
0xbc: {  	[sflag:s0] =	ssyncadd.remote.s32 $0x1  }
0xbd: {  	_ =	sfence.sel $0xFFFF  }
0xbe: {  	[dreg:$0x0] =	wrdreg $0xFFFFFFFF;
	(pc) =	sbr.abs _section_cstart, $3  }
0xbf: {  	[dreg:$0x1] =	wrdreg $0xFFFFFFFF  }
0xc0: {  	_ =	task.clear_ibuf [dreg:s6], $0x2FFFF;
	_ =	strace $0x9FFFFFFF  }
0xc1: {  	(tm) =	ssettm $0x7FFFFFFF  }
tec
execute0_lowered:
.L_overlay_start_1:
0x0: {  	(tag) =	ssettag $0x1  }
0x1: {  	s1 =	srdreg.scid  }
0x2: {  	s0 =	stileid.u32;
	s4 =	rddreg [dreg:$0x0]  }
0x3: {  	s2 =	simm.s32 $0x0;
	s9 =	simm.s32 $0x5800;
	s10 =	simm.s32 $0x6000  }
0x4: {  	s11 =	simm.s32 $0x6800;
	s12 =	simm.s32 $0x7000;
	s13 =	simm.s32 $0x7800  }
0x5: {  	s14 =	simm.s32 $0x8000;
	s15 =	simm.s32 $0x8800;
	s16 =	simm.s32 $0x9000  }
0x6: {  	s17 =	simm.s32 $0x9800;
	s18 =	simm.s32 $0xA000;
	s19 =	simm.s32 $0xA800  }
0x7: {  	s20 =	simm.s32 $0xB000;
	s21 =	simm.s32 $0xB800;
	s22 =	simm.s32 $0xC000  }
0x8: {  	s23 =	simm.s32 $0xC800;
	s24 =	simm.s32 $0x1;
	s25 =	simm.s32 $0x0  }
0x9: {  	s5 =	sand.u32 $0x1, s1;
	s3 =	sshll.u32 s0, $0x1;
	s1 =	rddreg [dreg:$0x1]  }
0xa: {  	[smem:$0x7FF] =	sst s2;
	s7 =	smul.u32 $0x13C000, s0;
	s3 =	sor.u32 s5, s3  }
0xb: {  	_ =	strace $0x8000004D;
	s8 =	ssub.s32 $0x2, s5;
	s5 =	smul.u32 $0x9E000, s5  }
0xc: {  	s6 =	smul.u32 $0xA00, s3;
	s7 =	sadd.s32 s7, s4;
	s30 =	sshrl.u32 s8, $0x1  }
0xd: {  	v2 =	vlaneseq.u32;
	s3 =	sadd.s32 $0x1467000, s4;
	s8 =	ssub.s32 s8, s30;
	s31 =	sadd.s32 s5, s7  }
0xe: {  	vm0 =	vmmov $0xffff;
	v1 =	vshrl.u32 v2, $0x3;
	s7 =	simm.s32 $0x2;
	s6 =	sadd.s32 s6, s4;
	s5 =	smax.u32 s8, $0x1  }
0xf: {  	v0 =	vand.u32 $0x7, v2;
	v2 =	vor.u32 $0x8, v2;
	v1 =	vmul.u32 $0x8, v1;
	s8 =	simm.s32 $0x5000;
	s4 =	sadd.s32 $0x11000, s6;
	s6 =	sadd.s32 $0x25000, s31  }
.LBB2_1:
0x10: {  	[tilespmem:s2], [sflag:$0x2] =	stream.linear.gather [hbm4b:s4+s2], $0x4F00, $0x38;
	[tilespmem:$0xD000] =	vst v63  }
0x11: {  	_ =	swait.ge [sflag:s7], $0x4F00  }
0x12: {  	[sflag:s7] =	ssyncset.done $0x0  }
0x13: {  	s26 =	simm.s32 $0x40;
	s28 =	simm.s32 $0x0;
	[sflag:s7] =	ssyncadd.s32 $0xFFFFB100  }
.LBB2_2:
0x14: {  	v3 =	vld [tilespmem:s26+$0xFFFFFFC0];
	_ =	sdelay $0x4  }
0x15: {  	v4 =	vshll.u32 v3, $0x1  }
0x16: {  	v3 =	vand.u32 $0x7, v3;
	v4 =	vand.u32 $0xFFFFFFF0, v4  }
0x17: {  	v3 =	vor.u32 v3, v4  }
0x18: {  	v4 =	vperm.xlane v3, v0;
	_ =	sdelay $0x1  }
0x19: {  	v3 =	vperm.xlane v3, v2;
	v4 =	vadd.s32 v1, v4;
	_ =	sdelay $0x1  }
0x1a: {  	v3 =	vadd.s32 v1, v3;
	_ =	sdelay $0x2  }
0x1b: {  	[tilespmem:s8], [sflag:$0x1] =	stream.indirect_vreg.gather [hbm4b:s3+s2], $0x80, v4, vm0, $0xb8;
	[tilespmem:$0xD000] =	vst v63  }
0x1c: {  	_ = 	snop  }
0x1d: {  	[tilespmem:s9], [sflag:$0x1] =	stream.indirect_vreg.gather [hbm4b:s3+s2], $0x80, v3, vm0, $0xb8;
	[tilespmem:$0xD000] =	vst v63  }
0x1e: {  	v3 =	vld [tilespmem:s26+$0xFFFFFFD0];
	_ =	sdelay $0x4  }
0x1f: {  	v57 =	vshll.u32 v3, $0x1  }
0x20: {  	v3 =	vand.u32 $0x7, v3;
	v4 =	vand.u32 $0xFFFFFFF0, v57  }
0x21: {  	v3 =	vor.u32 v3, v4  }
0x22: {  	v4 =	vperm.xlane v3, v0;
	_ =	sdelay $0x1  }
0x23: {  	v3 =	vperm.xlane v3, v2;
	v4 =	vadd.s32 v1, v4;
	_ =	sdelay $0x1  }
0x24: {  	v3 =	vadd.s32 v1, v3;
	_ =	sdelay $0x2  }
0x25: {  	[tilespmem:s10], [sflag:$0x1] =	stream.indirect_vreg.gather [hbm4b:s3+s2], $0x80, v4, vm0, $0xb8;
	[tilespmem:$0xD000] =	vst v63  }
0x26: {  	_ = 	snop  }
0x27: {  	[tilespmem:s11], [sflag:$0x1] =	stream.indirect_vreg.gather [hbm4b:s3+s2], $0x80, v3, vm0, $0xb8;
	[tilespmem:$0xD000] =	vst v63  }
0x28: {  	v3 =	vld [tilespmem:s26+$0xFFFFFFE0];
	_ =	sdelay $0x4  }
0x29: {  	v58 =	vshll.u32 v3, $0x1  }
0x2a: {  	v3 =	vand.u32 $0x7, v3;
	v4 =	vand.u32 $0xFFFFFFF0, v58  }
0x2b: {  	v3 =	vor.u32 v3, v4  }
0x2c: {  	v4 =	vperm.xlane v3, v0;
	_ =	sdelay $0x1  }
0x2d: {  	v3 =	vperm.xlane v3, v2;
	v4 =	vadd.s32 v1, v4;
	_ =	sdelay $0x1  }
0x2e: {  	v3 =	vadd.s32 v1, v3;
	_ =	sdelay $0x2  }
0x2f: {  	[tilespmem:s12], [sflag:$0x1] =	stream.indirect_vreg.gather [hbm4b:s3+s2], $0x80, v4, vm0, $0xb8;
	[tilespmem:$0xD000] =	vst v63  }
0x30: {  	_ = 	snop  }
0x31: {  	[tilespmem:s13], [sflag:$0x1] =	stream.indirect_vreg.gather [hbm4b:s3+s2], $0x80, v3, vm0, $0xb8;
	[tilespmem:$0xD000] =	vst v63  }
0x32: {  	v3 =	vld [tilespmem:s26+$0xFFFFFFF0];
	_ =	sdelay $0x4  }
0x33: {  	v59 =	vshll.u32 v3, $0x1  }
0x34: {  	v3 =	vand.u32 $0x7, v3;
	v4 =	vand.u32 $0xFFFFFFF0, v59  }
0x35: {  	v3 =	vor.u32 v3, v4  }
0x36: {  	v4 =	vperm.xlane v3, v0;
	_ =	sdelay $0x1  }
0x37: {  	v3 =	vperm.xlane v3, v2;
	v4 =	vadd.s32 v1, v4;
	_ =	sdelay $0x1  }
0x38: {  	v3 =	vadd.s32 v1, v3;
	_ =	sdelay $0x2  }
0x39: {  	[tilespmem:s14], [sflag:$0x1] =	stream.indirect_vreg.gather [hbm4b:s3+s2], $0x80, v4, vm0, $0xb8;
	[tilespmem:$0xD000] =	vst v63  }
0x3a: {  	_ = 	snop  }
0x3b: {  	[tilespmem:s15], [sflag:$0x1] =	stream.indirect_vreg.gather [hbm4b:s3+s2], $0x80, v3, vm0, $0xb8;
	[tilespmem:$0xD000] =	vst v63  }
0x3c: {  	v3 =	vld [tilespmem:s26+$0x0];
	_ =	sdelay $0x4  }
0x3d: {  	v60 =	vshll.u32 v3, $0x1  }
0x3e: {  	v3 =	vand.u32 $0x7, v3;
	v4 =	vand.u32 $0xFFFFFFF0, v60  }
0x3f: {  	v3 =	vor.u32 v3, v4  }
0x40: {  	v4 =	vperm.xlane v3, v0;
	_ =	sdelay $0x1  }
0x41: {  	v3 =	vperm.xlane v3, v2;
	v4 =	vadd.s32 v1, v4;
	_ =	sdelay $0x1  }
0x42: {  	v3 =	vadd.s32 v1, v3;
	_ =	sdelay $0x2  }
0x43: {  	[tilespmem:s16], [sflag:$0x1] =	stream.indirect_vreg.gather [hbm4b:s3+s2], $0x80, v4, vm0, $0xb8;
	[tilespmem:$0xD000] =	vst v63  }
0x44: {  	_ = 	snop  }
0x45: {  	[tilespmem:s17], [sflag:$0x1] =	stream.indirect_vreg.gather [hbm4b:s3+s2], $0x80, v3, vm0, $0xb8;
	[tilespmem:$0xD000] =	vst v63  }
0x46: {  	v3 =	vld [tilespmem:s26+$0x10];
	_ =	sdelay $0x4  }
0x47: {  	v61 =	vshll.u32 v3, $0x1  }
0x48: {  	v3 =	vand.u32 $0x7, v3;
	v4 =	vand.u32 $0xFFFFFFF0, v61  }
0x49: {  	v3 =	vor.u32 v3, v4  }
0x4a: {  	v4 =	vperm.xlane v3, v0;
	_ =	sdelay $0x1  }
0x4b: {  	v3 =	vperm.xlane v3, v2;
	v4 =	vadd.s32 v1, v4;
	_ =	sdelay $0x1  }
0x4c: {  	v3 =	vadd.s32 v1, v3;
	_ =	sdelay $0x2  }
0x4d: {  	[tilespmem:s18], [sflag:$0x1] =	stream.indirect_vreg.gather [hbm4b:s3+s2], $0x80, v4, vm0, $0xb8;
	[tilespmem:$0xD000] =	vst v63  }
0x4e: {  	_ = 	snop  }
0x4f: {  	[tilespmem:s19], [sflag:$0x1] =	stream.indirect_vreg.gather [hbm4b:s3+s2], $0x80, v3, vm0, $0xb8;
	[tilespmem:$0xD000] =	vst v63  }
0x50: {  	v3 =	vld [tilespmem:s26+$0x20];
	_ =	sdelay $0x4  }
0x51: {  	v62 =	vshll.u32 v3, $0x1  }
0x52: {  	v3 =	vand.u32 $0x7, v3;
	v4 =	vand.u32 $0xFFFFFFF0, v62  }
0x53: {  	v3 =	vor.u32 v3, v4  }
0x54: {  	v4 =	vperm.xlane v3, v0;
	_ =	sdelay $0x1  }
0x55: {  	v3 =	vperm.xlane v3, v2;
	v4 =	vadd.s32 v1, v4;
	_ =	sdelay $0x1  }
0x56: {  	v3 =	vadd.s32 v1, v3;
	_ =	sdelay $0x2  }
0x57: {  	[tilespmem:s20], [sflag:$0x1] =	stream.indirect_vreg.gather [hbm4b:s3+s2], $0x80, v4, vm0, $0xb8;
	[tilespmem:$0xD000] =	vst v63  }
0x58: {  	_ = 	snop  }
0x59: {  	[tilespmem:s21], [sflag:$0x1] =	stream.indirect_vreg.gather [hbm4b:s3+s2], $0x80, v3, vm0, $0xb8;
	[tilespmem:$0xD000] =	vst v63  }
0x5a: {  	v3 =	vld [tilespmem:s26+$0x30];
	_ =	sdelay $0x4  }
0x5b: {  	v63 =	vshll.u32 v3, $0x1  }
0x5c: {  	v3 =	vand.u32 $0x7, v3;
	v4 =	vand.u32 $0xFFFFFFF0, v63  }
0x5d: {  	v3 =	vor.u32 v3, v4  }
0x5e: {  	v4 =	vperm.xlane v3, v0;
	_ =	sdelay $0x1  }
0x5f: {  	v3 =	vperm.xlane v3, v2;
	v4 =	vadd.s32 v1, v4;
	_ =	sdelay $0x1  }
0x60: {  	v3 =	vadd.s32 v1, v3;
	_ =	sdelay $0x2  }
0x61: {  	[tilespmem:s22], [sflag:$0x1] =	stream.indirect_vreg.gather [hbm4b:s3+s2], $0x80, v4, vm0, $0xb8;
	[tilespmem:$0xD000] =	vst v63  }
0x62: {  	_ = 	snop  }
0x63: {  	[tilespmem:s23], [sflag:$0x1] =	stream.indirect_vreg.gather [hbm4b:s3+s2], $0x80, v3, vm0, $0xb8;
	[tilespmem:$0xD000] =	vst v63  }
0x64: {  	_ =	swait.ge [sflag:s24], $0x8000  }
0x65: {  	p0 =	sne.s32 s28, $0x9D000;
	[sflag:s24] =	ssyncset.done $0x0  }
.Ltmp0:
0x66: {  	s29 =	sadd.s32 s28, s6;
	[sflag:s24] =	ssyncadd.s32 $0xFFFF8000;
	(pc) =	sbr.rel @p0 .LBB2_2-.Ltmp0, $4  }
0x67: {  	[hbm4b:s29+s2] =	stream.linear.scatter [tilespmem:s8], [sflag:$0x2], $0x8000, $0x38;
	[tilespmem:$0xD000] =	vst v63  }
0x68: {  	_ =	swait.ge [sflag:s7], $0x8000  }
0x69: {  	[sflag:s7] =	ssyncset.done $0x0  }
0x6a: {  	s28 =	sadd.s32 $0x1000, s28;
	s26 =	sadd.s32 $0x80, s26;
	[sflag:s7] =	ssyncadd.s32 $0xFFFF8000  }
0x6b: {  	s25 =	sadd.s32 $0x1, s25  }
0x6c: {  	p0 =	sne.s32 s25, s5  }
.Ltmp1:
0x6d: {  	_ = 	snop;
	(pc) =	sbr.rel @p0 .LBB2_1-.Ltmp1, $1  }
0x6e: {  	_ =	sdelay $0x3  }
0x6f: {  	_ =	sfence.sel $0x180000  }
0x70: {  	[bflag:$0x0] =	sbarrier.arrive $0xFFFF  }
0x71: {  	p0 =	sne.s32 s0, $0x0;
	_ =	strace $0x9000004D  }
0x72: {  	s0 =	sadd.s32 @!p0 $0x100000, s1;
	[bflag:$0x2] =	sbarrier.arrive $0xFFFF  }
0x73: {  	[sflag:s0] =	ssyncadd.tile.s32 @!p0 $0x1;
	_ =	shalt  }
.Lfunc_end2:
_tile_overlayer_lowered:
.L_overlay_start_2:
0x74: {  	(tag) =	ssettag $0x2  }
0x75: {  	s0 =	rddreg [dreg:$0x0];
	s2 =	stileid.u32  }
0x76: {  	s1 =	rddreg [dreg:$0x1];
	p0 =	sne.s32 s2, $0x0  }
0x77: {  	s3 =	rddreg [dreg:$0x2];
	[bflag:$0x3] =	sbarrier.arrive $0xFFFF;
	s2 =	simm.s32 @!p0 $0x1C02  }
0x78: {  	[timem:s3], [sflag:s2] =	dma.local @!p0 [hbm:s0], s1  }
0x79: {  	s0 =	simm.s32 @!p0 $0x2  }
0x7a: {  	_ =	swait.ge @!p0 [sflag:s0], s1  }
0x7b: {  	s1 =	ssub.s32 @!p0 $0x0, s1;
	[sflag:s0] =	ssyncset.done @!p0 $0x0  }
0x7c: {  	[sflag:s0] =	ssyncadd.s32 @!p0 s1  }
0x7d: {  	[bflag:$0x3] =	sbarrier.arrive $0xFFFF  }
0x7e: {  	_ =	shalt  }

// kernel: kernel.21.cloned.1.call-start
scs
__scs_entry_jumppad:
0x0: {  	(pc) =	sbr.rel $0x88, $3  }
0x1: {  	(tag) =	ssettag $0x0;
	lr =	simm.s32 $0x1  }
0x2: {  	[smem:$0x3F74] =	sst lr;
	_ =	strace $0xD0000000  }
0x3: {  	_ = 	snop  }
0x4: {  	_ = 	snop  }
0x5: {  	_ = 	snop  }
0x6: {  	_ = 	snop  }
0x7: {  	_ = 	snop  }
__scs_overlays_trampoline_lowered:
0x8: {  	[smem:$0x3F83] =	sst s0  }
0x9: {  	[smem:$0x3F84] =	sst s1  }
0xa: {  	[smem:$0x3F85] =	sst s2  }
0xb: {  	[smem:$0x3F86] =	sst s3  }
0xc: {  	[smem:$0x3F87] =	sst s4  }
0xd: {  	[smem:$0x3F88] =	sst s5  }
0xe: {  	[smem:$0x3F89] =	sst s6  }
0xf: {  	[smem:$0x3F8A] =	sst s7  }
0x10: {  	[smem:$0x3F8B] =	sst s8  }
0x11: {  	[smem:$0x3F8C] =	sst s9;
	s0 =	simm.s32 @!p0 $0x0  }
0x12: {  	s1 =	sld [smem:$0x3F72];
	s0 =	simm.s32 @p0 $0x1  }
0x13: {  	[smem:$0x3F8D] =	sst s0;
	s0 =	simm.s32 @!p1 $0x0  }
0x14: {  	s2 =	sld [smem:$0x3F71];
	s0 =	simm.s32 @p1 $0x1  }
0x15: {  	[smem:$0x3F8E] =	sst s0;
	s0 =	simm.s32 @!p2 $0x0  }
0x16: {  	s3 =	sld [smem:$0x3FDB];
	s0 =	simm.s32 @p2 $0x1  }
0x17: {  	s4 =	simm.s32 $0x1BF5;
	[smem:$0x3F90] =	sst s0  }
0x18: {  	s0 =	sld [smem:$0x3F73];
	_ =	swait.ge [sflag:s4], $0x0  }
0x19: {  	s7 =	sld [smem:$0x3F74]  }
0x1a: {  	s8 =	sadd.s32 $0xFFFFE003, lr  }
0x1b: {  	s9 =	sadd.s32 $0xFFFFFEF7, lr;
	s5 =	simm.s32 $0xFFFFFFFF;
	p2 =	slt.u32 s8, $0xFFFFF086  }
0x1c: {  	p1 =	slt.u32 s9, $0xF7A;
	s5 =	simm.s32 @!p2 $0x0  }
0x1d: {  	s5 =	simm.s32 @p1 $0x1;
	p0 =	seq.s32 s7, s2  }
0x1e: {  	s7 =	smul.u32 @!p0 $0xF7A, s2;
	p2 =	seq.s32 @!p0 s5, $0x0  }
0x1f: {  	s9 =	smul.u32 $0xF7A, s1;
	s8 =	simm.s32 @!p0 $0x1BF5;
	p2 =	por !p2, p0  }
0x20: {  	[sflag:s8] =	ssyncset.s32 @!p0 $0xFFFFF086;
	s6 =	sadd.s32 @!p0 s3, s7;
	s7 =	simm.s32 @!p0 $0x108  }
0x21: {  	s3 =	sadd.s32 s3, s9;
	s6 =	sadd.s32 @!p0 $0x88, s6;
	s7 =	simm.s32 @p2 $0x1082  }
0x22: {  	[simem:s7], [sflag:s8] =	dma.local @!p0 [hbm:s6], $0xF7A  }
0x23: {  	s9 =	sor.u32 $0xD0000000, s2;
	s6 =	simm.s32 $0x108;
	_ =	swait.ge @!p0 [sflag:s8], $0x0  }
0x24: {  	s3 =	sadd.s32 $0x88, s3;
	s6 =	simm.s32 @!p1 $0x1082;
	[sflag:s4] =	ssyncset.s32 $0xFFFFF086  }
0x25: {  	[simem:s6], [sflag:s4] =	dma.local [hbm:s3], $0xF7A  }
0x26: {  	[smem:$0x3F74] =	sst s1;
	(tag) =	ssettag s2;
	_ =	strace s9  }
0x27: {  	s1 =	sld [smem:$0x3F84]  }
0x28: {  	s2 =	sld [smem:$0x3F85]  }
0x29: {  	s4 =	sld [smem:$0x3F87]  }
0x2a: {  	p0 =	seq.s32 s5, $0x0;
	s5 =	sld [smem:$0x3F88]  }
0x2b: {  	s6 =	sld [smem:$0x3F89]  }
0x2c: {  	s7 =	sld [smem:$0x3F8A]  }
0x2d: {  	s3 =	simm.s32 $0x108;
	s8 =	sld [smem:$0x3F8B]  }
0x2e: {  	s3 =	simm.s32 @!p0 $0x1082;
	s9 =	sld [smem:$0x3F8C]  }
0x2f: {  	lr =	sadd.s32 s0, s3;
	s0 =	sld [smem:$0x3F83]  }
0x30: {  	s3 =	sld [smem:$0x3F86]  }
0x31: {  	[smem:$0x3F8F] =	sst s10  }
0x32: {  	s10 =	sld [smem:$0x3F8D];
	_ =	sdelay $0x3  }
0x33: {  	p0 =	seq.s32 s10, $0x1;
	s10 =	sld [smem:$0x3F8F];
	_ =	sdelay $0x3  }
0x34: {  	[smem:$0x3F8F] =	sst s10  }
0x35: {  	s10 =	sld [smem:$0x3F8E];
	_ =	sdelay $0x3  }
0x36: {  	p1 =	seq.s32 s10, $0x1;
	s10 =	sld [smem:$0x3F8F];
	_ =	sdelay $0x3  }
0x37: {  	[smem:$0x3F8F] =	sst s10  }
0x38: {  	s10 =	sld [smem:$0x3F90]  }
0x39: {  	_ = 	snop;
	(pc) =	sbr.ind lr, $3  }
0x3a: {  	_ = 	snop  }
0x3b: {  	_ = 	snop  }
0x3c: {  	p2 =	seq.s32 s10, $0x1;
	s10 =	sld [smem:$0x3F8F]  }
0x3d: {  	_ =	shalt  }
0x3e: {  	_ =	shalt  }
0x3f: {  	_ =	shalt  }
0x40: {  	_ =	shalt  }
0x41: {  	_ =	shalt  }
0x42: {  	_ =	shalt  }
0x43: {  	_ =	shalt  }
0x44: {  	_ =	shalt  }
0x45: {  	_ =	shalt  }
0x46: {  	_ =	shalt  }
0x47: {  	_ =	shalt  }
0x48: {  	_ =	shalt  }
0x49: {  	_ =	shalt  }
0x4a: {  	_ =	shalt  }
0x4b: {  	_ =	shalt  }
0x4c: {  	_ =	shalt  }
0x4d: {  	_ =	shalt  }
0x4e: {  	_ =	shalt  }
0x4f: {  	_ =	shalt  }
0x50: {  	_ =	shalt  }
0x51: {  	_ =	shalt  }
0x52: {  	_ =	shalt  }
0x53: {  	_ =	shalt  }
0x54: {  	_ =	shalt  }
0x55: {  	_ =	shalt  }
0x56: {  	_ =	shalt  }
0x57: {  	_ =	shalt  }
0x58: {  	_ =	shalt  }
0x59: {  	_ =	shalt  }
0x5a: {  	_ =	shalt  }
0x5b: {  	_ =	shalt  }
0x5c: {  	_ =	shalt  }
0x5d: {  	_ =	shalt  }
0x5e: {  	_ =	shalt  }
0x5f: {  	_ =	shalt  }
0x60: {  	_ =	shalt  }
0x61: {  	_ =	shalt  }
0x62: {  	_ =	shalt  }
0x63: {  	_ =	shalt  }
0x64: {  	_ =	shalt  }
0x65: {  	_ =	shalt  }
0x66: {  	_ =	shalt  }
0x67: {  	_ =	shalt  }
0x68: {  	_ =	shalt  }
0x69: {  	_ =	shalt  }
0x6a: {  	_ =	shalt  }
0x6b: {  	_ =	shalt  }
0x6c: {  	_ =	shalt  }
0x6d: {  	_ =	shalt  }
0x6e: {  	_ =	shalt  }
0x6f: {  	_ =	shalt  }
0x70: {  	_ =	shalt  }
0x71: {  	_ =	shalt  }
0x72: {  	_ =	shalt  }
0x73: {  	_ =	shalt  }
0x74: {  	_ =	shalt  }
0x75: {  	_ =	shalt  }
0x76: {  	_ =	shalt  }
0x77: {  	_ =	shalt  }
0x78: {  	_ =	shalt  }
0x79: {  	_ =	shalt  }
0x7a: {  	_ =	shalt  }
0x7b: {  	_ =	shalt  }
0x7c: {  	_ =	shalt  }
0x7d: {  	_ =	shalt  }
0x7e: {  	_ =	shalt  }
0x7f: {  	_ =	shalt  }
0x80: {  	_ =	shalt  }
0x81: {  	_ =	shalt  }
0x82: {  	_ =	shalt  }
0x83: {  	_ =	shalt  }
0x84: {  	_ =	shalt  }
0x85: {  	_ =	shalt  }
0x86: {  	_ =	shalt  }
0x87: {  	_ =	shalt  }
.Lfunc_end0:
.L_simem_size_0:
called_computation.3_lowered:
.L_overlay_start_0:
0x88: {  	s2 =	sld [smem:$0x3FD9]  }
0x89: {  	s3 =	sld [smem:$0x3FFE];
	_ =	sdelay $0x1  }
0x8a: {  	s1 =	srdreg.scid  }
0x8b: {  	s0 =	sand.u32 $0x1, s1  }
0x8c: {  	s16 =	sshll.u32 s0, $0xA;
	s2 =	sadd.s32 s3, s2  }
0x8d: {  	s2 =	sadd.s32 s2, s16  }
0x8e: {  	[smem:$0x3F9B] =	sst s2  }
0x8f: {  	_ = 	snop  }
0x90: {  	(tm) =	ssettm $0x1  }
0x91: {  	s17 =	sld [smem:$0x3FFB];
	_ =	sdelay $0x3  }
0x92: {  	_ =	strace s17  }
0x93: {  	s2 =	sld [smem:$0x3FFC];
	_ =	sdelay $0x3  }
0x94: {  	_ =	strace s2  }
0x95: {  	s2 =	sld [smem:$0x3FFD];
	_ =	sdelay $0x3  }
0x96: {  	_ =	strace s2  }
0x97: {  	_ =	strace $0x8FFFFFFF  }
0x98: {  	s18 =	sld [smem:$0x3FDB];
	_ =	sdelay $0x1  }
0x99: {  	s19 =	simm.s32 $_scs_section_size  }
0x9a: {  	s4 =	simm.s32 $_size__tile_overlayer_lowered;
	s5 =	simm.s32 $_tile_overlayer_lowered  }
0x9b: {  	s22 =	simm.s32 $0x1BFF;
	s21 =	sshll.u32 s5, $0x1;
	s2 =	sadd.s32 s19, s18  }
0x9c: {  	s6 =	simm.s32 $0x0;
	s20 =	sshll.u32 s4, $0x1;
	s4 =	sadd.s32 s21, s2  }
0x9d: {  	[timem:s6], [sflag:s22] =	dma.local [hbm:s4], s20  }
0x9e: {  	_ =	swait.ge [sflag:s22], s20  }
0x9f: {  	s3 =	ssub.s32 $0x0, s20;
	[sflag:s22] =	ssyncset.done $0x0  }
0xa0: {  	[sflag:s22] =	ssyncadd.s32 s3;
	_ =	sdelay $0x1  }
0xa1: {  	s23 =	simm.s32 $0x1B8B  }
0xa2: {  	_ =	swait.ge [sflag:s23], $0x1  }
0xa3: {  	[sflag:s23] =	ssyncset.done $0x0  }
0xa4: {  	s25 =	simm.s32 $0x1B8E;
	s24 =	sld [smem:$0x3FFE];
	[sflag:s23] =	ssyncadd.s32 $0xFFFFFFFF  }
0xa5: {  	s26 =	simm.s32 $execute0_lowered;
	[smem:$0x3FD2] =	sst s25  }
0xa6: {  	s4 =	sshll.u32 s26, $0x1;
	_ =	strace $0x8000004F;
	[dreg:$0x1] =	wrdreg $0xFFFFFFFF  }
0xa7: {  	s28 =	simm.s32 $_size_execute0_lowered;
	s2 =	sadd.s32 s2, s4;
	[dreg:$0x0] =	wrdreg $0x0  }
0xa8: {  	s4 =	sshll.u32 s28, $0x1;
	[dreg:$0x2] =	wrdreg s2  }
0xa9: {  	[dreg:$0x3] =	wrdreg s4  }
0xaa: {  	[dreg:$0x4] =	wrdreg $0xC0  }
0xab: {  	_ =	task [dreg:s6], $0x5FFFF  }
0xac: {  	[dreg:$0x1] =	wrdreg $0xFFFFFFFF  }
0xad: {  	[dreg:$0x0] =	wrdreg $0x60  }
0xae: {  	[dreg:$0x2] =	wrdreg s24  }
0xaf: {  	[dreg:$0x3] =	wrdreg $0x90000  }
0xb0: {  	[dreg:$0x4] =	wrdreg $0x9  }
0xb1: {  	_ =	task.clear_ibuf [dreg:s6], $0x5FFFF;
	_ =	strace $0x9000004F  }
0xb2: {  	s29 =	simm.s32 $0x9;
	_ =	strace $0x80000051  }
0xb3: {  	_ =	swait.ge [sflag:s29], $0x1  }
0xb4: {  	[sflag:s29] =	ssyncadd.s32 $0xFFFFFFFF  }
0xb5: {  	_ =	strace $0x90000051  }
0xb6: {  	_ =	sfence  }
0xb7: {  	s30 =	sld [smem:$0x0];
	_ =	sdelay $0x2  }
0xb8: {  	s31 =	sshll.u32 s1, $0xD;
	s1 =	sshrl.u32 s1, $0x2  }
0xb9: {  	s3 =	sand.u32 $0x4000, s31;
	s1 =	sadd.s32 s1, s30  }
0xba: {  	s0 =	sor.u32 s3, s0;
	s1 =	sshll.u32 s1, $0x11  }
0xbb: {  	s0 =	sor.u32 s1, s0  }
0xbc: {  	s0 =	sadd.s32 $0x8F2B, s0  }
0xbd: {  	[sflag:s0] =	ssyncadd.remote.s32 $0x1  }
0xbe: {  	_ =	sfence.sel $0xFFFF  }
0xbf: {  	[dreg:$0x0] =	wrdreg $0xFFFFFFFF;
	(pc) =	sbr.abs _section_cstart, $3  }
0xc0: {  	[dreg:$0x1] =	wrdreg $0xFFFFFFFF  }
0xc1: {  	_ =	task.clear_ibuf [dreg:s6], $0x2FFFF;
	_ =	strace $0x9FFFFFFF  }
0xc2: {  	(tm) =	ssettm $0x7FFFFFFF  }
0xc3: {  	_ =	shalt  }
tec
execute0_lowered:
.L_overlay_start_1:
0x0: {  	(tag) =	ssettag $0x1  }
0x1: {  	s4 =	rddreg [dreg:$0x0]  }
0x2: {  	s2 =	rddreg [dreg:$0x1]  }
0x3: {  	s1 =	stileid.u32;
	s0 =	rddreg [dreg:$0x2];
	s3 =	simm.s32 $0x0  }
0x4: {  	s7 =	srdreg.scid;
	s13 =	simm.s32 $0x5000;
	s5 =	smul.u32 $0x4F000, s1  }
0x5: {  	s14 =	simm.s32 $0x80;
	s15 =	simm.s32 $0x0;
	s6 =	smul.u32 $0xA00, s1  }
0x6: {  	[smem:$0x7FF] =	sst s3;
	s8 =	smul.u32 $0x14000, s1;
	s7 =	sand.u32 $0x1, s7  }
0x7: {  	s11 =	smul.u32 $0x50000, s1;
	s31 =	sshll.u32 s1, $0x6;
	_ =	strace $0x80000050  }
0x8: {  	s9 =	smul.u32 $0x140000, s7;
	s29 =	ssub.s32 $0x2, s7;
	p0 =	seq.s32 s7, $0x1  }
0x9: {  	s10 =	sadd.s32 s5, s4;
	s6 =	sadd.s32 s6, s4;
	s28 =	sshrl.u32 s8, $0x3  }
0xa: {  	s12 =	sshrl.u32 s29, $0x1;
	s30 =	sshrl.u32 s11, $0x2;
	s8 =	sadd.s32 s8, s9  }
.Ltmp0:
0xb: {  	s5 =	sadd.s32 s28, s4;
	s9 =	ssub.s32 s29, s12;
	(pc) =	sbr.rel .LBB2_1-.Ltmp0, $4  }
0xc: {  	s11 =	sadd.s32 s30, s2;
	s6 =	sadd.s32 $0x1435000, s6;
	s8 =	sshrl.u32 s8, $0x3  }
0xd: {  	s12 =	simm.s32 $0x1;
	s11 =	sshrl.u32 s11, $0x3;
	s8 =	sadd.s32 s8, s4  }
0xe: {  	s4 =	sadd.s32 $0x143F000, s5;
	s5 =	sor.u32 $0x1C01, s31;
	s7 =	sadd.s32 $0x7200, s8  }
0xf: {  	s8 =	smax.u32 s9, $0x1;
	s9 =	sadd.s32 $0x14B7000, s10;
	s10 =	sadd.s32 $0x19A7000, s10  }
.LBB2_7:
0x10: {  	[sflag:s12] =	ssyncadd.s32 $0xFFFFC000  }
.LBB2_8:
0x11: {  	s15 =	sadd.s32 $0x1, s15  }
0x12: {  	p1 =	sne.s32 s15, s8  }
.Ltmp1:
0x13: {  	[bflag:$0x0] =	sbarrier.arrive $0xFFFF;
	(pc) =	sbr.rel @!p1 .LBB2_9-.Ltmp1, $4  }
0x14: {  	[hbm:s7], [sflag:s5] =	dma.local [spmem:s11], $0x2800  }
0x15: {  	_ =	swait.ge [sflag:s12], $0x2800  }
0x16: {  	[sflag:s12] =	ssyncset.done $0x0  }
0x17: {  	[sflag:s12] =	ssyncadd.s32 $0xFFFFD800  }
.LBB2_1:
0x18: {  	[spmem:s11], [sflag:s5] =	dma.local [hbm:s4], $0x2800  }
0x19: {  	_ =	swait.ge [sflag:s12], $0x2800  }
0x1a: {  	[sflag:s12] =	ssyncset.done $0x0  }
0x1b: {  	[sflag:s12] =	ssyncadd.s32 $0xFFFFD800  }
0x1c: {  	[tilespmem:s3], [sflag:$0x1] =	stream.linear.gather [hbm4b:s6+s3], $0x4F00, $0x38;
	[tilespmem:$0x1D000] =	vst v63  }
.Ltmp2:
0x1d: {  	_ =	swait.ge [sflag:s12], $0x4F00;
	(pc) =	sbr.rel @!p0 .LBB2_2-.Ltmp2, $3  }
0x1e: {  	[sflag:s12] =	ssyncset.done $0x0  }
0x1f: {  	[sflag:s12] =	ssyncadd.s32 $0xFFFFB100  }
0x20: {  	[bflag:$0x0] =	sbarrier.arrive $0xFFFF;
	_ =	sdelay $0x1  }
0x21: {  	[tilespmem:s13], [sflag:$0x1] =	stream.linear.gather [hbm4b:s10+s3], $0x4000, $0x38;
	[tilespmem:$0x1D000] =	vst v63  }
0x22: {  	_ =	swait.ge [sflag:s12], $0x4000  }
0x23: {  	[sflag:s12] =	ssyncset.done $0x0  }
0x24: {  	s16 =	simm.s32 $0x0;
	[sflag:s12] =	ssyncadd.s32 $0xFFFFC000  }
0x25: {  	[spmem:s2] =	stream.indirect.scatter.add.f32 [tilespmem:s13], [sflag:$0x1], $0x80, s16, s14, $0xb8;
	[tilespmem:$0x1D000] =	vst v63  }
0x26: {  	_ =	swait.ge [sflag:s12], $0x4000  }
0x27: {  	s17 =	smov.u32 s10;
	s16 =	simm.s32 $0x200;
	[sflag:s12] =	ssyncset.done $0x0  }
.LBB2_6:
0x28: {  	p1 =	sne.s32 s16, $0x13A00;
	[sflag:s12] =	ssyncadd.s32 $0xFFFFC000;
	s17 =	sadd.s32 $0x800, s17  }
0x29: {  	[tilespmem:s13], [sflag:$0x1] =	stream.linear.gather [hbm4b:s17+s3], $0x4000, $0x38;
	[tilespmem:$0x1D000] =	vst v63  }
0x2a: {  	s18 =	smov.u32 s16;
	s16 =	sadd.s32 $0x200, s16;
	_ =	swait.ge [sflag:s12], $0x4000  }
.Ltmp3:
0x2b: {  	[sflag:s12] =	ssyncset.done $0x0;
	(pc) =	sbr.rel @p1 .LBB2_6-.Ltmp3, $4  }
0x2c: {  	s18 =	sshra.s32 s18, $0x2;
	[sflag:s12] =	ssyncadd.s32 $0xFFFFC000  }
0x2d: {  	[spmem:s2] =	stream.indirect.scatter.add.f32 [tilespmem:s13], [sflag:$0x1], $0x80, s18, s14, $0xb8;
	[tilespmem:$0x1D000] =	vst v63  }
0x2e: {  	_ =	swait.ge [sflag:s12], $0x4000  }
0x2f: {  	[sflag:s12] =	ssyncset.done $0x0  }
.Ltmp4:
0x30: {  	_ = 	snop;
	(pc) =	sbr.rel .LBB2_7-.Ltmp4, $1  }
0x31: {  	_ =	sdelay $0x3  }
.LBB2_2:
0x32: {  	[tilespmem:s13], [sflag:$0x1] =	stream.linear.gather [hbm4b:s9+s3], $0x4000, $0x38;
	[tilespmem:$0x1D000] =	vst v63  }
0x33: {  	_ =	swait.ge [sflag:s12], $0x4000  }
0x34: {  	[sflag:s12] =	ssyncset.done $0x0  }
0x35: {  	s16 =	simm.s32 $0x0;
	[sflag:s12] =	ssyncadd.s32 $0xFFFFC000  }
0x36: {  	[spmem:s2] =	stream.indirect.scatter.add.f32 [tilespmem:s13], [sflag:$0x1], $0x80, s16, s14, $0xb8;
	[tilespmem:$0x1D000] =	vst v63  }
0x37: {  	_ =	swait.ge [sflag:s12], $0x4000  }
0x38: {  	s17 =	smov.u32 s9;
	s16 =	simm.s32 $0x200;
	[sflag:s12] =	ssyncset.done $0x0  }
.LBB2_3:
0x39: {  	p1 =	seq.s32 s16, $0x13A00;
	[sflag:s12] =	ssyncadd.s32 $0xFFFFC000;
	s17 =	sadd.s32 $0x800, s17  }
0x3a: {  	[tilespmem:s13], [sflag:$0x1] =	stream.linear.gather [hbm4b:s17+s3], $0x4000, $0x38;
	[tilespmem:$0x1D000] =	vst v63  }
0x3b: {  	s18 =	smov.u32 s16;
	s16 =	sadd.s32 $0x200, s16;
	_ =	swait.ge [sflag:s12], $0x4000  }
.Ltmp5:
0x3c: {  	[sflag:s12] =	ssyncset.done $0x0;
	(pc) =	sbr.rel @!p1 .LBB2_3-.Ltmp5, $4  }
0x3d: {  	s18 =	sshra.s32 s18, $0x2;
	[sflag:s12] =	ssyncadd.s32 $0xFFFFC000  }
0x3e: {  	[spmem:s2] =	stream.indirect.scatter.add.f32 [tilespmem:s13], [sflag:$0x1], $0x80, s18, s14, $0xb8;
	[tilespmem:$0x1D000] =	vst v63  }
0x3f: {  	_ =	swait.ge [sflag:s12], $0x4000  }
0x40: {  	[sflag:s12] =	ssyncset.done $0x0  }
.Ltmp6:
0x41: {  	(pc) =	sbr.rel .LBB2_8-.Ltmp6, $2  }
0x42: {  	_ =	sdelay $0x2  }
0x43: {  	[sflag:s12] =	ssyncadd.s32 $0xFFFFC000  }
.LBB2_9:
0x44: {  	_ =	sfence.sel $0x180000  }
0x45: {  	[bflag:$0x0] =	sbarrier.arrive $0xFFFF  }
0x46: {  	p0 =	sne.s32 s1, $0x0;
	_ =	strace $0x90000050  }
0x47: {  	s0 =	sadd.s32 @!p0 $0x100000, s0;
	[bflag:$0x2] =	sbarrier.arrive $0xFFFF  }
0x48: {  	[sflag:s0] =	ssyncadd.tile.s32 @!p0 $0x1;
	_ =	shalt  }
.Lfunc_end2:
_tile_overlayer_lowered:
.L_overlay_start_2:
0x49: {  	(tag) =	ssettag $0x2  }
0x4a: {  	s0 =	rddreg [dreg:$0x0];
	s2 =	stileid.u32  }
0x4b: {  	s1 =	rddreg [dreg:$0x1];
	p0 =	sne.s32 s2, $0x0  }
0x4c: {  	s3 =	rddreg [dreg:$0x2];
	[bflag:$0x3] =	sbarrier.arrive $0xFFFF;
	s2 =	simm.s32 @!p0 $0x1C01  }
0x4d: {  	[timem:s3], [sflag:s2] =	dma.local @!p0 [hbm:s0], s1  }
0x4e: {  	s0 =	simm.s32 @!p0 $0x1  }
0x4f: {  	_ =	swait.ge @!p0 [sflag:s0], s1  }
0x50: {  	s1 =	ssub.s32 @!p0 $0x0, s1;
	[sflag:s0] =	ssyncset.done @!p0 $0x0  }
0x51: {  	[sflag:s0] =	ssyncadd.s32 @!p0 s1  }
0x52: {  	[bflag:$0x3] =	sbarrier.arrive $0xFFFF  }
0x53: {  	_ =	shalt  }

</sc_bundles>
